<compile_context>
chip_gen: v7x
topology: tpu7x:2x2x1
jax: 0.10.2.dev20260603
libtpu: 0.0.44.dev20260713+nightly
codegen_flags: <defaults>
</compile_context>

<pallas_src>
import functools

import jax
import jax.numpy as jnp
from jax import lax
from jax.experimental import pallas as pl
from jax.experimental.pallas import tpu as pltpu
from jax.experimental.pallas import tpu_sc as plsc

VOCAB = 32000
EMB = 128
HID = 256
B = 32
S = 64
T = 64
G4 = 4 * HID
N_TOK = (S + T) * B
VT = 1280
TC = 16
NR = T // TC
NV = VOCAB // VT


def _gather_rows_sc(table, idx):
    info = plsc.get_sparse_core_info()
    nc, ns = info.num_cores, info.num_subcores
    nw = nc * ns
    per_w = N_TOK // nw
    mesh = plsc.VectorSubcoreMesh(core_axis_name="c", subcore_axis_name="s")

    @functools.partial(
        pl.kernel,
        mesh=mesh,
        out_type=jax.ShapeDtypeStruct((N_TOK, EMB), jnp.float32),
        scratch_types=[
            pltpu.VMEM((per_w,), jnp.int32),
            pltpu.VMEM((per_w, EMB), jnp.float32),
            pltpu.SemaphoreType.DMA,
        ],
    )
    def gk(table_hbm, idx_hbm, out_hbm, idx_v, rows_v, sem):
        wid = lax.axis_index("s") * nc + lax.axis_index("c")
        base = wid * per_w
        pltpu.sync_copy(idx_hbm.at[pl.ds(base, per_w)], idx_v)
        pltpu.async_copy(table_hbm.at[idx_v], rows_v, sem).wait()
        pltpu.sync_copy(rows_v, out_hbm.at[pl.ds(base, per_w)])

    return gk(table, idx)


def _nt_dot(a, b):
    return lax.dot_general(a, b, (((1,), (1,)), ((), ())),
                           preferred_element_type=jnp.float32)


def _cell(gates, c):
    sig = jax.nn.sigmoid(gates[:, : 3 * HID])
    i = sig[:, :HID]
    f = sig[:, HID: 2 * HID]
    o = sig[:, 2 * HID:]
    g = jnp.tanh(gates[:, 3 * HID:])
    c = f * c + i * g
    h = o * jnp.tanh(c)
    return h, c


def _fused_kernel(x_ref, ewih_ref, ewhh_ref, eb_ref, dwih_ref, dwhh_ref,
                  db_ref, fcw_ref, fcb_ref, o_ref,
                  xw_ref, xs_ref, h_ref, c_ref):
    v = pl.program_id(0)
    r = pl.program_id(1)

    @pl.when(jnp.logical_and(v == 0, r == 0))
    def _prologue():
        xb = x_ref[...].astype(jnp.bfloat16)
        xw_ref[: S * B] = _nt_dot(xb[: S * B], ewih_ref[...]) + eb_ref[...]
        xw_ref[S * B:] = _nt_dot(xb[S * B:], dwih_ref[...]) + db_ref[...]

        def enc_step(t, carry):
            h, c = carry
            gates = (xw_ref[pl.ds(t * B, B)]
                     + _nt_dot(h.astype(jnp.bfloat16), ewhh_ref[...]))
            return _cell(gates, c)

        zeros = jnp.zeros((B, HID), jnp.float32)
        h, c = lax.fori_loop(0, S, enc_step, (zeros, zeros))
        h_ref[...] = h
        c_ref[...] = c

    @pl.when(v == 0)
    def _decode_chunk():
        h = h_ref[...]
        c = c_ref[...]
        for j in range(TC):
            gates = (xw_ref[pl.ds((S + r * TC) * B + j * B, B)]
                     + _nt_dot(h.astype(jnp.bfloat16), dwhh_ref[...]))
            h, c = _cell(gates, c)
            xs_ref[:, r, j, :] = h
        h_ref[...] = h
        c_ref[...] = c

    xin = xs_ref[:, r, :, :].reshape(B * TC, HID)
    y = _nt_dot(xin.astype(jnp.bfloat16), fcw_ref[...]) + fcb_ref[...]
    o_ref[...] = y.reshape(B, TC, VT)


def _fused_call(x, ewih, ewhh, eb, dwih, dwhh, db, fc_w, fc_b2):
    full = lambda v, r: (0, 0)
    return pl.pallas_call(
        _fused_kernel,
        grid=(NV, NR),
        in_specs=[
            pl.BlockSpec((N_TOK, EMB), full),
            pl.BlockSpec((G4, EMB), full),
            pl.BlockSpec((G4, HID), full),
            pl.BlockSpec((1, G4), full),
            pl.BlockSpec((G4, EMB), full),
            pl.BlockSpec((G4, HID), full),
            pl.BlockSpec((1, G4), full),
            pl.BlockSpec((VT, HID), lambda v, r: (v, 0)),
            pl.BlockSpec((1, VT), lambda v, r: (0, v)),
        ],
        out_specs=pl.BlockSpec((B, TC, VT), lambda v, r: (0, r, v)),
        out_shape=jax.ShapeDtypeStruct((B, T, VOCAB), jnp.float32),
        scratch_shapes=[
            pltpu.VMEM((N_TOK, G4), jnp.float32),
            pltpu.VMEM((B, NR, TC, HID), jnp.float32),
            pltpu.VMEM((B, HID), jnp.float32),
            pltpu.VMEM((B, HID), jnp.float32),
        ],
    )(x, ewih, ewhh, eb, dwih, dwhh, db, fc_w, fc_b2)


def _permute_gates(w):
    i, f, g, o = jnp.split(w, 4, axis=0)
    return jnp.concatenate([i, f, o, g], axis=0)


def kernel(src, tgt, emb, enc_W_ih, enc_W_hh, enc_b_ih, enc_b_hh,
           dec_W_ih, dec_W_hh, dec_b_ih, dec_b_hh, fc_W, fc_b):
    idx = jnp.concatenate([src.T.reshape(-1), tgt.T.reshape(-1)])
    idx = idx.astype(jnp.int32)
    x = _gather_rows_sc(emb, idx)

    ewih = _permute_gates(enc_W_ih).astype(jnp.bfloat16)
    ewhh = _permute_gates(enc_W_hh).astype(jnp.bfloat16)
    eb = _permute_gates(enc_b_ih + enc_b_hh).reshape(1, G4)
    dwih = _permute_gates(dec_W_ih).astype(jnp.bfloat16)
    dwhh = _permute_gates(dec_W_hh).astype(jnp.bfloat16)
    db = _permute_gates(dec_b_ih + dec_b_hh).reshape(1, G4)

    return _fused_call(x, ewih, ewhh, eb, dwih, dwhh, db, fc_W,
                       fc_b.reshape(1, VOCAB))

# --- scband reference (transcript-rebuilt; emitter-appended) ---
"""Pipeline reference for scband-seq2-seq-29600914604857 (READ-ONLY COPY).

The authoritative reference and input builder live on the scoring server;
editing this copy changes nothing except your own understanding.
"""

import jax, jax.numpy as jnp
import numpy as np

VOCAB = 32000
EMB = 128
HID = 256
B = 32
S = 64
T = 64


def lstm_scan(x, h0, c0, W_ih, W_hh, b_ih, b_hh):
    # x: [B, S, E]; PyTorch LSTM gate order: i, f, g, o
    def step(carry, xt):
        h, c = carry
        gates = xt @ W_ih.T + h @ W_hh.T + b_ih + b_hh
        i, f, g, o = jnp.split(gates, 4, axis=-1)
        i = jax.nn.sigmoid(i)
        f = jax.nn.sigmoid(f)
        g = jnp.tanh(g)
        o = jax.nn.sigmoid(o)
        c = f * c + i * g
        h = o * jnp.tanh(c)
        return (h, c), h
    xs = jnp.swapaxes(x, 0, 1)  # [S, B, E]
    (h, c), ys = jax.lax.scan(step, (h0, c0), xs)
    return jnp.swapaxes(ys, 0, 1), (h, c)


def setup_inputs(seed: int = 0) -> dict:
    key = jax.random.key(seed)
    ks = jax.random.split(key, 16)
    src = jax.random.randint(ks[0], (B, S), 0, VOCAB)
    tgt = jax.random.randint(ks[1], (B, T), 0, VOCAB)
    emb = jax.random.normal(ks[2], (VOCAB, EMB), dtype=jnp.float32) * 0.05
    sc = 1.0 / np.sqrt(HID)
    enc_W_ih = jax.random.uniform(ks[3], (4 * HID, EMB), jnp.float32, -sc, sc)
    enc_W_hh = jax.random.uniform(ks[4], (4 * HID, HID), jnp.float32, -sc, sc)
    enc_b_ih = jax.random.uniform(ks[5], (4 * HID,), jnp.float32, -sc, sc)
    enc_b_hh = jax.random.uniform(ks[6], (4 * HID,), jnp.float32, -sc, sc)
    dec_W_ih = jax.random.uniform(ks[7], (4 * HID, EMB), jnp.float32, -sc, sc)
    dec_W_hh = jax.random.uniform(ks[8], (4 * HID, HID), jnp.float32, -sc, sc)
    dec_b_ih = jax.random.uniform(ks[9], (4 * HID,), jnp.float32, -sc, sc)
    dec_b_hh = jax.random.uniform(ks[10], (4 * HID,), jnp.float32, -sc, sc)
    fc_W = jax.random.uniform(ks[11], (VOCAB, HID), jnp.float32, -sc, sc)
    fc_b = jax.random.uniform(ks[12], (VOCAB,), jnp.float32, -sc, sc)
    return {"src": src, "tgt": tgt, "emb": emb,
            "enc_W_ih": enc_W_ih, "enc_W_hh": enc_W_hh, "enc_b_ih": enc_b_ih, "enc_b_hh": enc_b_hh,
            "dec_W_ih": dec_W_ih, "dec_W_hh": dec_W_hh, "dec_b_ih": dec_b_ih, "dec_b_hh": dec_b_hh,
            "fc_W": fc_W, "fc_b": fc_b}


def reference(src, tgt, emb,
              enc_W_ih, enc_W_hh, enc_b_ih, enc_b_hh,
              dec_W_ih, dec_W_hh, dec_b_ih, dec_b_hh,
              fc_W, fc_b):
    emb_src = jnp.take(emb, src, axis=0)  # [B, S, EMB]
    h0 = jnp.zeros((src.shape[0], HID), dtype=jnp.float32)
    c0 = jnp.zeros((src.shape[0], HID), dtype=jnp.float32)
    _, (h, c) = lstm_scan(emb_src, h0, c0, enc_W_ih, enc_W_hh, enc_b_ih, enc_b_hh)
    emb_tgt = jnp.take(emb, tgt, axis=0)  # [B, T, EMB]
    out, _ = lstm_scan(emb_tgt, h, c, dec_W_ih, dec_W_hh, dec_b_ih, dec_b_hh)
    logits = out @ fc_W.T + fc_b  # [B, T, VOCAB]
    return logits

if __name__ == "__main__":
    import jax
    _d = setup_inputs()
    print(jax.jit(kernel)(*tuple(_d.values())))

</pallas_src>

<mosaic_0001>
#map = affine_map<(d0, d1) -> (0, 0)>
#map1 = affine_map<(d0, d1) -> (0)>
module attributes {stable_mosaic.version = 14 : i64} {
  func.func @gk(%arg0: i32, %arg1: i32, %arg2: memref<32000x128xf32, #tpu.memory_space<hbm>>, %arg3: memref<4096xi32, #tpu.memory_space<hbm>>, %arg4: memref<4096x128xf32, #tpu.memory_space<hbm>>, %arg5: memref<128xi32, #tpu.memory_space<vmem>>, %arg6: memref<128x128xf32, #tpu.memory_space<vmem>>, %arg7: memref<!tpu.dma_semaphore, #tpu.memory_space<semaphore_mem>>) attributes {dimension_semantics = [#tpu.dimension_semantics<core_parallel>, #tpu.dimension_semantics<subcore_parallel>], iteration_bounds = array<i64: 2, 16>, scalar_prefetch = 0 : i64, scratch_operands = 3 : i64, tpu.core_type = #tpu.core_type<sc_vector_subcore>, window_params = [{transform_indices = #map}, {transform_indices = #map1}, {transform_indices = #map}]} {
    %mul3A = arith.constant 2 : i32
    %mul3A_0 = arith.muli %arg1, %mul3A : i32
    %add3A = arith.addi %mul3A_0, %arg0 : i32
    %mul3A_1 = arith.constant 128 : i32
    %mul3A_2 = arith.muli %add3A, %mul3A_1 : i32
    "tpu.region"() ({
      %run_scoped3A = tpu.sem_alloc : memref<!tpu.dma_semaphore, #tpu.memory_space<semaphore_mem>>
      %dma_start3A_7 = tpu.memref_slice %arg3[%mul3A_2] : memref<4096xi32, #tpu.memory_space<hbm>> -> memref<128xi32, #tpu.memory_space<hbm>>
      %dma_start3A_8 = tpu.memref_slice %arg3[%mul3A_2] : memref<4096xi32, #tpu.memory_space<hbm>> -> memref<128xi32, #tpu.memory_space<hbm>>
      tpu.enqueue_dma source(%dma_start3A_8 : memref<128xi32, #tpu.memory_space<hbm>>) target(%arg5 : memref<128xi32, #tpu.memory_space<vmem>>) target_semaphore(%run_scoped3A : memref<!tpu.dma_semaphore, #tpu.memory_space<semaphore_mem>>)
      %dma_wait3A_9 = tpu.memref_slice %arg3[%mul3A_2] : memref<4096xi32, #tpu.memory_space<hbm>> -> memref<128xi32, #tpu.memory_space<hbm>>
      %dma_wait3A_10 = tpu.memref_slice %arg3[%mul3A_2] : memref<4096xi32, #tpu.memory_space<hbm>> -> memref<128xi32, #tpu.memory_space<hbm>>
      tpu.wait_dma2 semaphore(%run_scoped3A : memref<!tpu.dma_semaphore, #tpu.memory_space<semaphore_mem>>) src(%dma_wait3A_10 : memref<128xi32, #tpu.memory_space<hbm>>) dst(%arg5 : memref<128xi32, #tpu.memory_space<vmem>>)
      tpu.yield
    }) : () -> ()
    %dma_start3A = arith.constant 0 : i32
    %dma_start3A_3 = arith.constant 0 : i32
    %dma_start3A_4 = tpu.memref_slice %arg2[%dma_start3A, %dma_start3A_3] : memref<32000x128xf32, #tpu.memory_space<hbm>> -> memref<32000x128xf32, #tpu.memory_space<hbm>>
    tpu.enqueue_indirect_dma source(%dma_start3A_4 : memref<32000x128xf32, #tpu.memory_space<hbm>>) target(%arg6 : memref<128x128xf32, #tpu.memory_space<vmem>>) offsets(%arg5 : memref<128xi32, #tpu.memory_space<vmem>>) semaphore(%arg7 : memref<!tpu.dma_semaphore, #tpu.memory_space<semaphore_mem>>)
    %dma_wait3A = arith.constant 0 : i32
    %dma_wait3A_5 = arith.constant 0 : i32
    %dma_wait3A_6 = tpu.memref_slice %arg2[%dma_wait3A, %dma_wait3A_5] : memref<32000x128xf32, #tpu.memory_space<hbm>> -> memref<32000x128xf32, #tpu.memory_space<hbm>>
    tpu.wait_indirect_dma semaphore(%arg7 : memref<!tpu.dma_semaphore, #tpu.memory_space<semaphore_mem>>) src(%dma_wait3A_6 : memref<32000x128xf32, #tpu.memory_space<hbm>>) dst(%arg6 : memref<128x128xf32, #tpu.memory_space<vmem>>)
    "tpu.region"() ({
      %run_scoped3A = tpu.sem_alloc : memref<!tpu.dma_semaphore, #tpu.memory_space<semaphore_mem>>
      %dma_start3A_7 = arith.constant 0 : i32
      %dma_start3A_8 = tpu.memref_slice %arg4[%mul3A_2, %dma_start3A_7] : memref<4096x128xf32, #tpu.memory_space<hbm>> -> memref<128x128xf32, #tpu.memory_space<hbm>>
      %dma_start3A_9 = arith.constant 0 : i32
      %dma_start3A_10 = tpu.memref_slice %arg4[%mul3A_2, %dma_start3A_9] : memref<4096x128xf32, #tpu.memory_space<hbm>> -> memref<128x128xf32, #tpu.memory_space<hbm>>
      tpu.enqueue_dma source(%arg6 : memref<128x128xf32, #tpu.memory_space<vmem>>) target(%dma_start3A_10 : memref<128x128xf32, #tpu.memory_space<hbm>>) target_semaphore(%run_scoped3A : memref<!tpu.dma_semaphore, #tpu.memory_space<semaphore_mem>>)
      %dma_wait3A_11 = arith.constant 0 : i32
      %dma_wait3A_12 = tpu.memref_slice %arg4[%mul3A_2, %dma_wait3A_11] : memref<4096x128xf32, #tpu.memory_space<hbm>> -> memref<128x128xf32, #tpu.memory_space<hbm>>
      %dma_wait3A_13 = arith.constant 0 : i32
      %dma_wait3A_14 = tpu.memref_slice %arg4[%mul3A_2, %dma_wait3A_13] : memref<4096x128xf32, #tpu.memory_space<hbm>> -> memref<128x128xf32, #tpu.memory_space<hbm>>
      tpu.wait_dma2 semaphore(%run_scoped3A : memref<!tpu.dma_semaphore, #tpu.memory_space<semaphore_mem>>) src(%arg6 : memref<128x128xf32, #tpu.memory_space<vmem>>) dst(%dma_wait3A_14 : memref<128x128xf32, #tpu.memory_space<hbm>>)
      tpu.yield
    }) : () -> ()
    return
  }
}

module attributes {stable_mosaic.version = 14 : i64} {
  func.func @_fused_kernel(%arg0: i32, %arg1: i32, %arg2: memref<4096x128xf32, #tpu.memory_space<vmem>>, %arg3: memref<1024x128xbf16, #tpu.memory_space<vmem>>, %arg4: memref<1024x256xbf16, #tpu.memory_space<vmem>>, %arg5: memref<1x1024xf32, #tpu.memory_space<vmem>>, %arg6: memref<1024x128xbf16, #tpu.memory_space<vmem>>, %arg7: memref<1024x256xbf16, #tpu.memory_space<vmem>>, %arg8: memref<1x1024xf32, #tpu.memory_space<vmem>>, %arg9: memref<1280x256xf32, #tpu.memory_space<vmem>>, %arg10: memref<1x1280xf32, #tpu.memory_space<vmem>>, %arg11: memref<32x16x1280xf32, #tpu.memory_space<vmem>>, %arg12: memref<4096x1024xf32, #tpu.memory_space<vmem>>, %arg13: memref<32x4x16x256xf32, #tpu.memory_space<vmem>>, %arg14: memref<32x256xf32, #tpu.memory_space<vmem>>, %arg15: memref<32x256xf32, #tpu.memory_space<vmem>>) attributes {dimension_semantics = [#tpu.dimension_semantics<arbitrary>, #tpu.dimension_semantics<arbitrary>], iteration_bounds = array<i64: 25, 4>, scalar_prefetch = 0 : i64, scratch_operands = 4 : i64, tpu.core_type = #tpu.core_type<tc>, window_params = [{pipeline_mode = #tpu.pipeline_mode<synchronous>, transform_indices = @transform_0, window_bounds = array<i64: 4096, 128>}, {pipeline_mode = #tpu.pipeline_mode<synchronous>, transform_indices = @transform_1, window_bounds = array<i64: 1024, 128>}, {pipeline_mode = #tpu.pipeline_mode<synchronous>, transform_indices = @transform_2, window_bounds = array<i64: 1024, 256>}, {pipeline_mode = #tpu.pipeline_mode<synchronous>, transform_indices = @transform_3, window_bounds = array<i64: 1, 1024>}, {pipeline_mode = #tpu.pipeline_mode<synchronous>, transform_indices = @transform_4, window_bounds = array<i64: 1024, 128>}, {pipeline_mode = #tpu.pipeline_mode<synchronous>, transform_indices = @transform_5, window_bounds = array<i64: 1024, 256>}, {pipeline_mode = #tpu.pipeline_mode<synchronous>, transform_indices = @transform_6, window_bounds = array<i64: 1, 1024>}, {transform_indices = @transform_7, window_bounds = array<i64: 1280, 256>}, {transform_indices = @transform_8, window_bounds = array<i64: 1, 1280>}, {transform_indices = @transform_9, window_bounds = array<i64: 32, 16, 1280>}]} {
    %eq3A = arith.constant 0 : i32
    %eq3A_0 = arith.cmpi eq, %arg0, %eq3A : i32
    %eq3A_1 = arith.constant 0 : i32
    %eq3A_2 = arith.cmpi eq, %arg1, %eq3A_1 : i32
    %and3A = arith.andi %eq3A_0, %eq3A_2 : i1
    %convert_element_type3A = arith.extui %and3A : i1 to i32
    %cond3A = arith.constant 0 : i32
    %cond3A_3 = arith.cmpi ne, %convert_element_type3A, %cond3A : i32
    scf.if %cond3A_3 {
      %get3A_27 = arith.constant 0 : index
      %get3A_28 = arith.constant 0 : index
      %get3A_29 = vector.load %arg2[%get3A_27, %get3A_28] : memref<4096x128xf32, #tpu.memory_space<vmem>>, vector<4096x128xf32>
      %convert_element_type3A_30 = arith.truncf %get3A_29 : vector<4096x128xf32> to vector<4096x128xbf16>
      %slice3A = vector.extract_strided_slice %convert_element_type3A_30 {offsets = [0, 0], sizes = [2048, 128], strides = [1, 1]} : vector<4096x128xbf16> to vector<2048x128xbf16>
      %get3A_31 = arith.constant 0 : index
      %get3A_32 = arith.constant 0 : index
      %get3A_33 = vector.load %arg3[%get3A_31, %get3A_32] : memref<1024x128xbf16, #tpu.memory_space<vmem>>, vector<1024x128xbf16>
      %dot_general3A_34 = arith.constant dense<0.000000e+00> : vector<2048x1024xf32>
      %dot_general3A_35 = tpu.matmul %slice3A, %get3A_33, %dot_general3A_34 {dimension_numbers = #tpu.dot_dimension_numbers<[1], [1], [0], [0], [0, 0, 1, 0], [], []>, transpose_lhs_hint = false} : vector<2048x128xbf16>, vector<1024x128xbf16>, vector<2048x1024xf32> -> vector<2048x1024xf32>
      %get3A_36 = arith.constant 0 : index
      %get3A_37 = arith.constant 0 : index
      %get3A_38 = vector.load %arg5[%get3A_36, %get3A_37] : memref<1x1024xf32, #tpu.memory_space<vmem>>, vector<1x1024xf32>
      %add3A_39 = vector.broadcast %get3A_38 : vector<1x1024xf32> to vector<2048x1024xf32>
      %add3A_40 = arith.addf %dot_general3A_35, %add3A_39 : vector<2048x1024xf32>
      %swap3A_41 = arith.constant 0 : index
      %swap3A_42 = arith.constant 0 : index
      %swap3A_43 = vector.load %arg12[%swap3A_41, %swap3A_42] : memref<4096x1024xf32, #tpu.memory_space<vmem>>, vector<2048x1024xf32>
      tpu.vector_store %arg12[%swap3A_41, %swap3A_42], %add3A_40 {strides = array<i32>} : memref<4096x1024xf32, #tpu.memory_space<vmem>>, vector<2048x1024xf32>,
      %slice3A_44 = vector.extract_strided_slice %convert_element_type3A_30 {offsets = [2048, 0], sizes = [2048, 128], strides = [1, 1]} : vector<4096x128xbf16> to vector<2048x128xbf16>
      %get3A_45 = arith.constant 0 : index
      %get3A_46 = arith.constant 0 : index
      %get3A_47 = vector.load %arg6[%get3A_45, %get3A_46] : memref<1024x128xbf16, #tpu.memory_space<vmem>>, vector<1024x128xbf16>
      %dot_general3A_48 = arith.constant dense<0.000000e+00> : vector<2048x1024xf32>
      %dot_general3A_49 = tpu.matmul %slice3A_44, %get3A_47, %dot_general3A_48 {dimension_numbers = #tpu.dot_dimension_numbers<[1], [1], [0], [0], [0, 0, 1, 0], [], []>, transpose_lhs_hint = false} : vector<2048x128xbf16>, vector<1024x128xbf16>, vector<2048x1024xf32> -> vector<2048x1024xf32>
      %get3A_50 = arith.constant 0 : index
      %get3A_51 = arith.constant 0 : index
      %get3A_52 = vector.load %arg8[%get3A_50, %get3A_51] : memref<1x1024xf32, #tpu.memory_space<vmem>>, vector<1x1024xf32>
      %add3A_53 = vector.broadcast %get3A_52 : vector<1x1024xf32> to vector<2048x1024xf32>
      %add3A_54 = arith.addf %dot_general3A_49, %add3A_53 : vector<2048x1024xf32>
      %swap3A_55 = arith.constant 2048 : index
      %swap3A_56 = arith.constant 0 : index
      %swap3A_57 = vector.load %arg12[%swap3A_55, %swap3A_56] : memref<4096x1024xf32, #tpu.memory_space<vmem>>, vector<2048x1024xf32>
      tpu.vector_store %arg12[%swap3A_55, %swap3A_56], %add3A_54 {strides = array<i32>} : memref<4096x1024xf32, #tpu.memory_space<vmem>>, vector<2048x1024xf32>,
      %broadcast_in_dim3A = arith.constant 0.000000e+00 : f32
      %broadcast_in_dim3A_58 = vector.broadcast %broadcast_in_dim3A : f32 to vector<32x256xf32>
      %scan3A = arith.constant 0 : i32
      %scan3A_59 = arith.constant 64 : i32
      %scan3A_60 = arith.addi %scan3A, %scan3A_59 : i32
      %scan3A_61 = arith.constant 1 : i32
      %scan3A_62:2 = scf.for %scan3A_70 = %scan3A to %scan3A_60 step %scan3A_61 iter_args(%scan3A_71 = %broadcast_in_dim3A_58, %scan3A_72 = %broadcast_in_dim3A_58) -> (vector<32x256xf32>, vector<32x256xf32>)  : i32 {
        %mul3A = arith.constant 32 : i32
        %mul3A_73 = arith.muli %scan3A_70, %mul3A : i32
        %get3A_74 = arith.index_cast %mul3A_73 : i32 to index
        %get3A_75 = arith.constant 0 : index
        %get3A_76 = vector.load %arg12[%get3A_74, %get3A_75] : memref<4096x1024xf32, #tpu.memory_space<vmem>>, vector<32x1024xf32>
        %convert_element_type3A_77 = arith.truncf %scan3A_71 : vector<32x256xf32> to vector<32x256xbf16>
        %get3A_78 = arith.constant 0 : index
        %get3A_79 = arith.constant 0 : index
        %get3A_80 = vector.load %arg4[%get3A_78, %get3A_79] : memref<1024x256xbf16, #tpu.memory_space<vmem>>, vector<1024x256xbf16>
        %dot_general3A_81 = arith.constant dense<0.000000e+00> : vector<32x1024xf32>
        %dot_general3A_82 = tpu.matmul %convert_element_type3A_77, %get3A_80, %dot_general3A_81 {dimension_numbers = #tpu.dot_dimension_numbers<[1], [1], [0], [0], [0, 0, 1, 0], [], []>, transpose_lhs_hint = false} : vector<32x256xbf16>, vector<1024x256xbf16>, vector<32x1024xf32> -> vector<32x1024xf32>
        %add3A_83 = arith.addf %get3A_76, %dot_general3A_82 : vector<32x1024xf32>
        %slice3A_84 = vector.extract_strided_slice %add3A_83 {offsets = [0, 0], sizes = [32, 768], strides = [1, 1]} : vector<32x1024xf32> to vector<32x768xf32>
        %logistic3A = arith.negf %slice3A_84 : vector<32x768xf32>
        %logistic3A_85 = math.exp %logistic3A : vector<32x768xf32>
        %logistic3A_86 = arith.constant 1.000000e+00 : f32
        %logistic3A_87 = vector.broadcast %logistic3A_86 : f32 to vector<32x768xf32>
        %logistic3A_88 = arith.addf %logistic3A_87, %logistic3A_85 : vector<32x768xf32>
        %logistic3A_89 = arith.divf %logistic3A_87, %logistic3A_88 : vector<32x768xf32>
        %slice3A_90 = vector.extract_strided_slice %logistic3A_89 {offsets = [0, 0], sizes = [32, 256], strides = [1, 1]} : vector<32x768xf32> to vector<32x256xf32>
        %slice3A_91 = vector.extract_strided_slice %logistic3A_89 {offsets = [0, 256], sizes = [32, 256], strides = [1, 1]} : vector<32x768xf32> to vector<32x256xf32>
        %slice3A_92 = vector.extract_strided_slice %logistic3A_89 {offsets = [0, 512], sizes = [32, 256], strides = [1, 1]} : vector<32x768xf32> to vector<32x256xf32>
        %slice3A_93 = vector.extract_strided_slice %add3A_83 {offsets = [0, 768], sizes = [32, 256], strides = [1, 1]} : vector<32x1024xf32> to vector<32x256xf32>
        %tanh3A = math.tanh %slice3A_93 : vector<32x256xf32>
        %mul3A_94 = arith.mulf %slice3A_91, %scan3A_72 : vector<32x256xf32>
        %mul3A_95 = arith.mulf %slice3A_90, %tanh3A : vector<32x256xf32>
        %add3A_96 = arith.addf %mul3A_94, %mul3A_95 : vector<32x256xf32>
        %tanh3A_97 = math.tanh %add3A_96 : vector<32x256xf32>
        %mul3A_98 = arith.mulf %slice3A_92, %tanh3A_97 : vector<32x256xf32>
        scf.yield %mul3A_98, %add3A_96 : vector<32x256xf32>, vector<32x256xf32>
      }
      %scan3A_63 = arith.constant 64 : i32
      %swap3A_64 = arith.constant 0 : index
      %swap3A_65 = arith.constant 0 : index
      %swap3A_66 = vector.load %arg14[%swap3A_64, %swap3A_65] : memref<32x256xf32, #tpu.memory_space<vmem>>, vector<32x256xf32>
      tpu.vector_store %arg14[%swap3A_64, %swap3A_65], %scan3A_62#0 {strides = array<i32>} : memref<32x256xf32, #tpu.memory_space<vmem>>, vector<32x256xf32>,
      %swap3A_67 = arith.constant 0 : index
      %swap3A_68 = arith.constant 0 : index
      %swap3A_69 = vector.load %arg15[%swap3A_67, %swap3A_68] : memref<32x256xf32, #tpu.memory_space<vmem>>, vector<32x256xf32>
      tpu.vector_store %arg15[%swap3A_67, %swap3A_68], %scan3A_62#1 {strides = array<i32>} : memref<32x256xf32, #tpu.memory_space<vmem>>, vector<32x256xf32>,
    } else {
    }
    %eq3A_4 = arith.constant 0 : i32
    %eq3A_5 = arith.cmpi eq, %arg0, %eq3A_4 : i32
    %convert_element_type3A_6 = arith.extui %eq3A_5 : i1 to i32
    %cond3A_7 = arith.constant 0 : i32
    %cond3A_8 = arith.cmpi ne, %convert_element_type3A_6, %cond3A_7 : i32
    scf.if %cond3A_8 {
      %get3A_27 = arith.constant 0 : index
      %get3A_28 = arith.constant 0 : index
      %get3A_29 = vector.load %arg14[%get3A_27, %get3A_28] : memref<32x256xf32, #tpu.memory_space<vmem>>, vector<32x256xf32>
      %get3A_30 = arith.constant 0 : index
      %get3A_31 = arith.constant 0 : index
      %get3A_32 = vector.load %arg15[%get3A_30, %get3A_31] : memref<32x256xf32, #tpu.memory_space<vmem>>, vector<32x256xf32>
      %mul3A = arith.constant 16 : i32
      %mul3A_33 = arith.muli %arg1, %mul3A : i32
      %add3A_34 = arith.constant 64 : i32
      %add3A_35 = arith.addi %add3A_34, %mul3A_33 : i32
      %mul3A_36 = arith.constant 32 : i32
      %mul3A_37 = arith.muli %add3A_35, %mul3A_36 : i32
      %add3A_38 = arith.constant 0 : i32
      %add3A_39 = arith.addi %mul3A_37, %add3A_38 : i32
      %get3A_40 = arith.index_cast %add3A_39 : i32 to index
      %get3A_41 = arith.constant 0 : index
      %get3A_42 = vector.load %arg12[%get3A_40, %get3A_41] : memref<4096x1024xf32, #tpu.memory_space<vmem>>, vector<32x1024xf32>
      %convert_element_type3A_43 = arith.truncf %get3A_29 : vector<32x256xf32> to vector<32x256xbf16>
      %get3A_44 = arith.constant 0 : index
      %get3A_45 = arith.constant 0 : index
      %get3A_46 = vector.load %arg7[%get3A_44, %get3A_45] : memref<1024x256xbf16, #tpu.memory_space<vmem>>, vector<1024x256xbf16>
      %dot_general3A_47 = arith.constant dense<0.000000e+00> : vector<32x1024xf32>
      %dot_general3A_48 = tpu.matmul %convert_element_type3A_43, %get3A_46, %dot_general3A_47 {dimension_numbers = #tpu.dot_dimension_numbers<[1], [1], [0], [0], [0, 0, 1, 0], [], []>, transpose_lhs_hint = false} : vector<32x256xbf16>, vector<1024x256xbf16>, vector<32x1024xf32> -> vector<32x1024xf32>
      %add3A_49 = arith.addf %get3A_42, %dot_general3A_48 : vector<32x1024xf32>
      %slice3A = vector.extract_strided_slice %add3A_49 {offsets = [0, 0], sizes = [32, 768], strides = [1, 1]} : vector<32x1024xf32> to vector<32x768xf32>
      %logistic3A = arith.negf %slice3A : vector<32x768xf32>
      %logistic3A_50 = math.exp %logistic3A : vector<32x768xf32>
      %logistic3A_51 = arith.constant 1.000000e+00 : f32
      %logistic3A_52 = vector.broadcast %logistic3A_51 : f32 to vector<32x768xf32>
      %logistic3A_53 = arith.addf %logistic3A_52, %logistic3A_50 : vector<32x768xf32>
      %logistic3A_54 = arith.divf %logistic3A_52, %logistic3A_53 : vector<32x768xf32>
      %slice3A_55 = vector.extract_strided_slice %logistic3A_54 {offsets = [0, 0], sizes = [32, 256], strides = [1, 1]} : vector<32x768xf32> to vector<32x256xf32>
      %slice3A_56 = vector.extract_strided_slice %logistic3A_54 {offsets = [0, 256], sizes = [32, 256], strides = [1, 1]} : vector<32x768xf32> to vector<32x256xf32>
      %slice3A_57 = vector.extract_strided_slice %logistic3A_54 {offsets = [0, 512], sizes = [32, 256], strides = [1, 1]} : vector<32x768xf32> to vector<32x256xf32>
      %slice3A_58 = vector.extract_strided_slice %add3A_49 {offsets = [0, 768], sizes = [32, 256], strides = [1, 1]} : vector<32x1024xf32> to vector<32x256xf32>
      %tanh3A = math.tanh %slice3A_58 : vector<32x256xf32>
      %mul3A_59 = arith.mulf %slice3A_56, %get3A_32 : vector<32x256xf32>
      %mul3A_60 = arith.mulf %slice3A_55, %tanh3A : vector<32x256xf32>
      %add3A_61 = arith.addf %mul3A_59, %mul3A_60 : vector<32x256xf32>
      %tanh3A_62 = math.tanh %add3A_61 : vector<32x256xf32>
      %mul3A_63 = arith.mulf %slice3A_57, %tanh3A_62 : vector<32x256xf32>
      %swap3A_64 = arith.constant 0 : index
      %swap3A_65 = arith.index_cast %arg1 : i32 to index
      %swap3A_66 = arith.constant 0 : index
      %swap3A_67 = arith.constant 0 : index
      %swap3A_68 = vector.load %arg13[%swap3A_64, %swap3A_65, %swap3A_66, %swap3A_67] : memref<32x4x16x256xf32, #tpu.memory_space<vmem>>, vector<32x1x1x256xf32>
      %swap3A_69 = vector.shape_cast %swap3A_68 : vector<32x1x1x256xf32> to vector<32x256xf32>
      %swap3A_70 = vector.shape_cast %mul3A_63 : vector<32x256xf32> to vector<32x1x1x256xf32>
      tpu.vector_store %arg13[%swap3A_64, %swap3A_65, %swap3A_66, %swap3A_67], %swap3A_70 {strides = array<i32>} : memref<32x4x16x256xf32, #tpu.memory_space<vmem>>, vector<32x1x1x256xf32>,
      %mul3A_71 = arith.constant 16 : i32
      %mul3A_72 = arith.muli %arg1, %mul3A_71 : i32
      %add3A_73 = arith.constant 64 : i32
      %add3A_74 = arith.addi %add3A_73, %mul3A_72 : i32
      %mul3A_75 = arith.constant 32 : i32
      %mul3A_76 = arith.muli %add3A_74, %mul3A_75 : i32
      %add3A_77 = arith.constant 32 : i32
      %add3A_78 = arith.addi %mul3A_76, %add3A_77 : i32
      %get3A_79 = arith.index_cast %add3A_78 : i32 to index
      %get3A_80 = arith.constant 0 : index
      %get3A_81 = vector.load %arg12[%get3A_79, %get3A_80] : memref<4096x1024xf32, #tpu.memory_space<vmem>>, vector<32x1024xf32>
      %convert_element_type3A_82 = arith.truncf %mul3A_63 : vector<32x256xf32> to vector<32x256xbf16>
      %get3A_83 = arith.constant 0 : index
      %get3A_84 = arith.constant 0 : index
      %get3A_85 = vector.load %arg7[%get3A_83, %get3A_84] : memref<1024x256xbf16, #tpu.memory_space<vmem>>, vector<1024x256xbf16>
      %dot_general3A_86 = arith.constant dense<0.000000e+00> : vector<32x1024xf32>
      %dot_general3A_87 = tpu.matmul %convert_element_type3A_82, %get3A_85, %dot_general3A_86 {dimension_numbers = #tpu.dot_dimension_numbers<[1], [1], [0], [0], [0, 0, 1, 0], [], []>, transpose_lhs_hint = false} : vector<32x256xbf16>, vector<1024x256xbf16>, vector<32x1024xf32> -> vector<32x1024xf32>
      %add3A_88 = arith.addf %get3A_81, %dot_general3A_87 : vector<32x1024xf32>
      %slice3A_89 = vector.extract_strided_slice %add3A_88 {offsets = [0, 0], sizes = [32, 768], strides = [1, 1]} : vector<32x1024xf32> to vector<32x768xf32>
      %logistic3A_90 = arith.negf %slice3A_89 : vector<32x768xf32>
      %logistic3A_91 = math.exp %logistic3A_90 : vector<32x768xf32>
      %logistic3A_92 = arith.constant 1.000000e+00 : f32
      %logistic3A_93 = vector.broadcast %logistic3A_92 : f32 to vector<32x768xf32>
      %logistic3A_94 = arith.addf %logistic3A_93, %logistic3A_91 : vector<32x768xf32>
      %logistic3A_95 = arith.divf %logistic3A_93, %logistic3A_94 : vector<32x768xf32>
      %slice3A_96 = vector.extract_strided_slice %logistic3A_95 {offsets = [0, 0], sizes = [32, 256], strides = [1, 1]} : vector<32x768xf32> to vector<32x256xf32>
      %slice3A_97 = vector.extract_strided_slice %logistic3A_95 {offsets = [0, 256], sizes = [32, 256], strides = [1, 1]} : vector<32x768xf32> to vector<32x256xf32>
      %slice3A_98 = vector.extract_strided_slice %logistic3A_95 {offsets = [0, 512], sizes = [32, 256], strides = [1, 1]} : vector<32x768xf32> to vector<32x256xf32>
      %slice3A_99 = vector.extract_strided_slice %add3A_88 {offsets = [0, 768], sizes = [32, 256], strides = [1, 1]} : vector<32x1024xf32> to vector<32x256xf32>
      %tanh3A_100 = math.tanh %slice3A_99 : vector<32x256xf32>
      %mul3A_101 = arith.mulf %slice3A_97, %add3A_61 : vector<32x256xf32>
      %mul3A_102 = arith.mulf %slice3A_96, %tanh3A_100 : vector<32x256xf32>
      %add3A_103 = arith.addf %mul3A_101, %mul3A_102 : vector<32x256xf32>
      %tanh3A_104 = math.tanh %add3A_103 : vector<32x256xf32>
      %mul3A_105 = arith.mulf %slice3A_98, %tanh3A_104 : vector<32x256xf32>
      %swap3A_106 = arith.constant 0 : index
      %swap3A_107 = arith.index_cast %arg1 : i32 to index
      %swap3A_108 = arith.constant 1 : index
      %swap3A_109 = arith.constant 0 : index
      %swap3A_110 = vector.load %arg13[%swap3A_106, %swap3A_107, %swap3A_108, %swap3A_109] : memref<32x4x16x256xf32, #tpu.memory_space<vmem>>, vector<32x1x1x256xf32>
      %swap3A_111 = vector.shape_cast %swap3A_110 : vector<32x1x1x256xf32> to vector<32x256xf32>
      %swap3A_112 = vector.shape_cast %mul3A_105 : vector<32x256xf32> to vector<32x1x1x256xf32>
      tpu.vector_store %arg13[%swap3A_106, %swap3A_107, %swap3A_108, %swap3A_109], %swap3A_112 {strides = array<i32>} : memref<32x4x16x256xf32, #tpu.memory_space<vmem>>, vector<32x1x1x256xf32>,
      %mul3A_113 = arith.constant 16 : i32
      %mul3A_114 = arith.muli %arg1, %mul3A_113 : i32
      %add3A_115 = arith.constant 64 : i32
      %add3A_116 = arith.addi %add3A_115, %mul3A_114 : i32
      %mul3A_117 = arith.constant 32 : i32
      %mul3A_118 = arith.muli %add3A_116, %mul3A_117 : i32
      %add3A_119 = arith.constant 64 : i32
      %add3A_120 = arith.addi %mul3A_118, %add3A_119 : i32
      %get3A_121 = arith.index_cast %add3A_120 : i32 to index
      %get3A_122 = arith.constant 0 : index
      %get3A_123 = vector.load %arg12[%get3A_121, %get3A_122] : memref<4096x1024xf32, #tpu.memory_space<vmem>>, vector<32x1024xf32>
      %convert_element_type3A_124 = arith.truncf %mul3A_105 : vector<32x256xf32> to vector<32x256xbf16>
      %get3A_125 = arith.constant 0 : index
      %get3A_126 = arith.constant 0 : index
      %get3A_127 = vector.load %arg7[%get3A_125, %get3A_126] : memref<1024x256xbf16, #tpu.memory_space<vmem>>, vector<1024x256xbf16>
      %dot_general3A_128 = arith.constant dense<0.000000e+00> : vector<32x1024xf32>
      %dot_general3A_129 = tpu.matmul %convert_element_type3A_124, %get3A_127, %dot_general3A_128 {dimension_numbers = #tpu.dot_dimension_numbers<[1], [1], [0], [0], [0, 0, 1, 0], [], []>, transpose_lhs_hint = false} : vector<32x256xbf16>, vector<1024x256xbf16>, vector<32x1024xf32> -> vector<32x1024xf32>
      %add3A_130 = arith.addf %get3A_123, %dot_general3A_129 : vector<32x1024xf32>
      %slice3A_131 = vector.extract_strided_slice %add3A_130 {offsets = [0, 0], sizes = [32, 768], strides = [1, 1]} : vector<32x1024xf32> to vector<32x768xf32>
      %logistic3A_132 = arith.negf %slice3A_131 : vector<32x768xf32>
      %logistic3A_133 = math.exp %logistic3A_132 : vector<32x768xf32>
      %logistic3A_134 = arith.constant 1.000000e+00 : f32
      %logistic3A_135 = vector.broadcast %logistic3A_134 : f32 to vector<32x768xf32>
      %logistic3A_136 = arith.addf %logistic3A_135, %logistic3A_133 : vector<32x768xf32>
      %logistic3A_137 = arith.divf %logistic3A_135, %logistic3A_136 : vector<32x768xf32>
      %slice3A_138 = vector.extract_strided_slice %logistic3A_137 {offsets = [0, 0], sizes = [32, 256], strides = [1, 1]} : vector<32x768xf32> to vector<32x256xf32>
      %slice3A_139 = vector.extract_strided_slice %logistic3A_137 {offsets = [0, 256], sizes = [32, 256], strides = [1, 1]} : vector<32x768xf32> to vector<32x256xf32>
      %slice3A_140 = vector.extract_strided_slice %logistic3A_137 {offsets = [0, 512], sizes = [32, 256], strides = [1, 1]} : vector<32x768xf32> to vector<32x256xf32>
      %slice3A_141 = vector.extract_strided_slice %add3A_130 {offsets = [0, 768], sizes = [32, 256], strides = [1, 1]} : vector<32x1024xf32> to vector<32x256xf32>
      %tanh3A_142 = math.tanh %slice3A_141 : vector<32x256xf32>
      %mul3A_143 = arith.mulf %slice3A_139, %add3A_103 : vector<32x256xf32>
      %mul3A_144 = arith.mulf %slice3A_138, %tanh3A_142 : vector<32x256xf32>
      %add3A_145 = arith.addf %mul3A_143, %mul3A_144 : vector<32x256xf32>
      %tanh3A_146 = math.tanh %add3A_145 : vector<32x256xf32>
      %mul3A_147 = arith.mulf %slice3A_140, %tanh3A_146 : vector<32x256xf32>
      %swap3A_148 = arith.constant 0 : index
      %swap3A_149 = arith.index_cast %arg1 : i32 to index
      %swap3A_150 = arith.constant 2 : index
      %swap3A_151 = arith.constant 0 : index
      %swap3A_152 = vector.load %arg13[%swap3A_148, %swap3A_149, %swap3A_150, %swap3A_151] : memref<32x4x16x256xf32, #tpu.memory_space<vmem>>, vector<32x1x1x256xf32>
      %swap3A_153 = vector.shape_cast %swap3A_152 : vector<32x1x1x256xf32> to vector<32x256xf32>
      %swap3A_154 = vector.shape_cast %mul3A_147 : vector<32x256xf32> to vector<32x1x1x256xf32>
      tpu.vector_store %arg13[%swap3A_148, %swap3A_149, %swap3A_150, %swap3A_151], %swap3A_154 {strides = array<i32>} : memref<32x4x16x256xf32, #tpu.memory_space<vmem>>, vector<32x1x1x256xf32>,
      %mul3A_155 = arith.constant 16 : i32
      %mul3A_156 = arith.muli %arg1, %mul3A_155 : i32
      %add3A_157 = arith.constant 64 : i32
      %add3A_158 = arith.addi %add3A_157, %mul3A_156 : i32
      %mul3A_159 = arith.constant 32 : i32
      %mul3A_160 = arith.muli %add3A_158, %mul3A_159 : i32
      %add3A_161 = arith.constant 96 : i32
      %add3A_162 = arith.addi %mul3A_160, %add3A_161 : i32
      %get3A_163 = arith.index_cast %add3A_162 : i32 to index
      %get3A_164 = arith.constant 0 : index
      %get3A_165 = vector.load %arg12[%get3A_163, %get3A_164] : memref<4096x1024xf32, #tpu.memory_space<vmem>>, vector<32x1024xf32>
      %convert_element_type3A_166 = arith.truncf %mul3A_147 : vector<32x256xf32> to vector<32x256xbf16>
      %get3A_167 = arith.constant 0 : index
      %get3A_168 = arith.constant 0 : index
      %get3A_169 = vector.load %arg7[%get3A_167, %get3A_168] : memref<1024x256xbf16, #tpu.memory_space<vmem>>, vector<1024x256xbf16>
      %dot_general3A_170 = arith.constant dense<0.000000e+00> : vector<32x1024xf32>
      %dot_general3A_171 = tpu.matmul %convert_element_type3A_166, %get3A_169, %dot_general3A_170 {dimension_numbers = #tpu.dot_dimension_numbers<[1], [1], [0], [0], [0, 0, 1, 0], [], []>, transpose_lhs_hint = false} : vector<32x256xbf16>, vector<1024x256xbf16>, vector<32x1024xf32> -> vector<32x1024xf32>
      %add3A_172 = arith.addf %get3A_165, %dot_general3A_171 : vector<32x1024xf32>
      %slice3A_173 = vector.extract_strided_slice %add3A_172 {offsets = [0, 0], sizes = [32, 768], strides = [1, 1]} : vector<32x1024xf32> to vector<32x768xf32>
      %logistic3A_174 = arith.negf %slice3A_173 : vector<32x768xf32>
      %logistic3A_175 = math.exp %logistic3A_174 : vector<32x768xf32>
      %logistic3A_176 = arith.constant 1.000000e+00 : f32
      %logistic3A_177 = vector.broadcast %logistic3A_176 : f32 to vector<32x768xf32>
      %logistic3A_178 = arith.addf %logistic3A_177, %logistic3A_175 : vector<32x768xf32>
      %logistic3A_179 = arith.divf %logistic3A_177, %logistic3A_178 : vector<32x768xf32>
      %slice3A_180 = vector.extract_strided_slice %logistic3A_179 {offsets = [0, 0], sizes = [32, 256], strides = [1, 1]} : vector<32x768xf32> to vector<32x256xf32>
      %slice3A_181 = vector.extract_strided_slice %logistic3A_179 {offsets = [0, 256], sizes = [32, 256], strides = [1, 1]} : vector<32x768xf32> to vector<32x256xf32>
      %slice3A_182 = vector.extract_strided_slice %logistic3A_179 {offsets = [0, 512], sizes = [32, 256], strides = [1, 1]} : vector<32x768xf32> to vector<32x256xf32>
      %slice3A_183 = vector.extract_strided_slice %add3A_172 {offsets = [0, 768], sizes = [32, 256], strides = [1, 1]} : vector<32x1024xf32> to vector<32x256xf32>
      %tanh3A_184 = math.tanh %slice3A_183 : vector<32x256xf32>
      %mul3A_185 = arith.mulf %slice3A_181, %add3A_145 : vector<32x256xf32>
      %mul3A_186 = arith.mulf %slice3A_180, %tanh3A_184 : vector<32x256xf32>
      %add3A_187 = arith.addf %mul3A_185, %mul3A_186 : vector<32x256xf32>
      %tanh3A_188 = math.tanh %add3A_187 : vector<32x256xf32>
      %mul3A_189 = arith.mulf %slice3A_182, %tanh3A_188 : vector<32x256xf32>
      %swap3A_190 = arith.constant 0 : index
      %swap3A_191 = arith.index_cast %arg1 : i32 to index
      %swap3A_192 = arith.constant 3 : index
      %swap3A_193 = arith.constant 0 : index
      %swap3A_194 = vector.load %arg13[%swap3A_190, %swap3A_191, %swap3A_192, %swap3A_193] : memref<32x4x16x256xf32, #tpu.memory_space<vmem>>, vector<32x1x1x256xf32>
      %swap3A_195 = vector.shape_cast %swap3A_194 : vector<32x1x1x256xf32> to vector<32x256xf32>
      %swap3A_196 = vector.shape_cast %mul3A_189 : vector<32x256xf32> to vector<32x1x1x256xf32>
      tpu.vector_store %arg13[%swap3A_190, %swap3A_191, %swap3A_192, %swap3A_193], %swap3A_196 {strides = array<i32>} : memref<32x4x16x256xf32, #tpu.memory_space<vmem>>, vector<32x1x1x256xf32>,
      %mul3A_197 = arith.constant 16 : i32
      %mul3A_198 = arith.muli %arg1, %mul3A_197 : i32
      %add3A_199 = arith.constant 64 : i32
      %add3A_200 = arith.addi %add3A_199, %mul3A_198 : i32
      %mul3A_201 = arith.constant 32 : i32
      %mul3A_202 = arith.muli %add3A_200, %mul3A_201 : i32
      %add3A_203 = arith.constant 128 : i32
      %add3A_204 = arith.addi %mul3A_202, %add3A_203 : i32
      %get3A_205 = arith.index_cast %add3A_204 : i32 to index
      %get3A_206 = arith.constant 0 : index
      %get3A_207 = vector.load %arg12[%get3A_205, %get3A_206] : memref<4096x1024xf32, #tpu.memory_space<vmem>>, vector<32x1024xf32>
      %convert_element_type3A_208 = arith.truncf %mul3A_189 : vector<32x256xf32> to vector<32x256xbf16>
      %get3A_209 = arith.constant 0 : index
      %get3A_210 = arith.constant 0 : index
      %get3A_211 = vector.load %arg7[%get3A_209, %get3A_210] : memref<1024x256xbf16, #tpu.memory_space<vmem>>, vector<1024x256xbf16>
      %dot_general3A_212 = arith.constant dense<0.000000e+00> : vector<32x1024xf32>
      %dot_general3A_213 = tpu.matmul %convert_element_type3A_208, %get3A_211, %dot_general3A_212 {dimension_numbers = #tpu.dot_dimension_numbers<[1], [1], [0], [0], [0, 0, 1, 0], [], []>, transpose_lhs_hint = false} : vector<32x256xbf16>, vector<1024x256xbf16>, vector<32x1024xf32> -> vector<32x1024xf32>
      %add3A_214 = arith.addf %get3A_207, %dot_general3A_213 : vector<32x1024xf32>
      %slice3A_215 = vector.extract_strided_slice %add3A_214 {offsets = [0, 0], sizes = [32, 768], strides = [1, 1]} : vector<32x1024xf32> to vector<32x768xf32>
      %logistic3A_216 = arith.negf %slice3A_215 : vector<32x768xf32>
      %logistic3A_217 = math.exp %logistic3A_216 : vector<32x768xf32>
      %logistic3A_218 = arith.constant 1.000000e+00 : f32
      %logistic3A_219 = vector.broadcast %logistic3A_218 : f32 to vector<32x768xf32>
      %logistic3A_220 = arith.addf %logistic3A_219, %logistic3A_217 : vector<32x768xf32>
      %logistic3A_221 = arith.divf %logistic3A_219, %logistic3A_220 : vector<32x768xf32>
      %slice3A_222 = vector.extract_strided_slice %logistic3A_221 {offsets = [0, 0], sizes = [32, 256], strides = [1, 1]} : vector<32x768xf32> to vector<32x256xf32>
      %slice3A_223 = vector.extract_strided_slice %logistic3A_221 {offsets = [0, 256], sizes = [32, 256], strides = [1, 1]} : vector<32x768xf32> to vector<32x256xf32>
      %slice3A_224 = vector.extract_strided_slice %logistic3A_221 {offsets = [0, 512], sizes = [32, 256], strides = [1, 1]} : vector<32x768xf32> to vector<32x256xf32>
      %slice3A_225 = vector.extract_strided_slice %add3A_214 {offsets = [0, 768], sizes = [32, 256], strides = [1, 1]} : vector<32x1024xf32> to vector<32x256xf32>
      %tanh3A_226 = math.tanh %slice3A_225 : vector<32x256xf32>
      %mul3A_227 = arith.mulf %slice3A_223, %add3A_187 : vector<32x256xf32>
      %mul3A_228 = arith.mulf %slice3A_222, %tanh3A_226 : vector<32x256xf32>
      %add3A_229 = arith.addf %mul3A_227, %mul3A_228 : vector<32x256xf32>
      %tanh3A_230 = math.tanh %add3A_229 : vector<32x256xf32>
      %mul3A_231 = arith.mulf %slice3A_224, %tanh3A_230 : vector<32x256xf32>
      %swap3A_232 = arith.constant 0 : index
      %swap3A_233 = arith.index_cast %arg1 : i32 to index
      %swap3A_234 = arith.constant 4 : index
      %swap3A_235 = arith.constant 0 : index
      %swap3A_236 = vector.load %arg13[%swap3A_232, %swap3A_233, %swap3A_234, %swap3A_235] : memref<32x4x16x256xf32, #tpu.memory_space<vmem>>, vector<32x1x1x256xf32>
      %swap3A_237 = vector.shape_cast %swap3A_236 : vector<32x1x1x256xf32> to vector<32x256xf32>
      %swap3A_238 = vector.shape_cast %mul3A_231 : vector<32x256xf32> to vector<32x1x1x256xf32>
      tpu.vector_store %arg13[%swap3A_232, %swap3A_233, %swap3A_234, %swap3A_235], %swap3A_238 {strides = array<i32>} : memref<32x4x16x256xf32, #tpu.memory_space<vmem>>, vector<32x1x1x256xf32>,
      %mul3A_239 = arith.constant 16 : i32
      %mul3A_240 = arith.muli %arg1, %mul3A_239 : i32
      %add3A_241 = arith.constant 64 : i32
      %add3A_242 = arith.addi %add3A_241, %mul3A_240 : i32
      %mul3A_243 = arith.constant 32 : i32
      %mul3A_244 = arith.muli %add3A_242, %mul3A_243 : i32
      %add3A_245 = arith.constant 160 : i32
      %add3A_246 = arith.addi %mul3A_244, %add3A_245 : i32
      %get3A_247 = arith.index_cast %add3A_246 : i32 to index
      %get3A_248 = arith.constant 0 : index
      %get3A_249 = vector.load %arg12[%get3A_247, %get3A_248] : memref<4096x1024xf32, #tpu.memory_space<vmem>>, vector<32x1024xf32>
      %convert_element_type3A_250 = arith.truncf %mul3A_231 : vector<32x256xf32> to vector<32x256xbf16>
      %get3A_251 = arith.constant 0 : index
      %get3A_252 = arith.constant 0 : index
      %get3A_253 = vector.load %arg7[%get3A_251, %get3A_252] : memref<1024x256xbf16, #tpu.memory_space<vmem>>, vector<1024x256xbf16>
      %dot_general3A_254 = arith.constant dense<0.000000e+00> : vector<32x1024xf32>
      %dot_general3A_255 = tpu.matmul %convert_element_type3A_250, %get3A_253, %dot_general3A_254 {dimension_numbers = #tpu.dot_dimension_numbers<[1], [1], [0], [0], [0, 0, 1, 0], [], []>, transpose_lhs_hint = false} : vector<32x256xbf16>, vector<1024x256xbf16>, vector<32x1024xf32> -> vector<32x1024xf32>
      %add3A_256 = arith.addf %get3A_249, %dot_general3A_255 : vector<32x1024xf32>
      %slice3A_257 = vector.extract_strided_slice %add3A_256 {offsets = [0, 0], sizes = [32, 768], strides = [1, 1]} : vector<32x1024xf32> to vector<32x768xf32>
      %logistic3A_258 = arith.negf %slice3A_257 : vector<32x768xf32>
      %logistic3A_259 = math.exp %logistic3A_258 : vector<32x768xf32>
      %logistic3A_260 = arith.constant 1.000000e+00 : f32
      %logistic3A_261 = vector.broadcast %logistic3A_260 : f32 to vector<32x768xf32>
      %logistic3A_262 = arith.addf %logistic3A_261, %logistic3A_259 : vector<32x768xf32>
      %logistic3A_263 = arith.divf %logistic3A_261, %logistic3A_262 : vector<32x768xf32>
      %slice3A_264 = vector.extract_strided_slice %logistic3A_263 {offsets = [0, 0], sizes = [32, 256], strides = [1, 1]} : vector<32x768xf32> to vector<32x256xf32>
      %slice3A_265 = vector.extract_strided_slice %logistic3A_263 {offsets = [0, 256], sizes = [32, 256], strides = [1, 1]} : vector<32x768xf32> to vector<32x256xf32>
      %slice3A_266 = vector.extract_strided_slice %logistic3A_263 {offsets = [0, 512], sizes = [32, 256], strides = [1, 1]} : vector<32x768xf32> to vector<32x256xf32>
      %slice3A_267 = vector.extract_strided_slice %add3A_256 {offsets = [0, 768], sizes = [32, 256], strides = [1, 1]} : vector<32x1024xf32> to vector<32x256xf32>
      %tanh3A_268 = math.tanh %slice3A_267 : vector<32x256xf32>
      %mul3A_269 = arith.mulf %slice3A_265, %add3A_229 : vector<32x256xf32>
      %mul3A_270 = arith.mulf %slice3A_264, %tanh3A_268 : vector<32x256xf32>
      %add3A_271 = arith.addf %mul3A_269, %mul3A_270 : vector<32x256xf32>
      %tanh3A_272 = math.tanh %add3A_271 : vector<32x256xf32>
      %mul3A_273 = arith.mulf %slice3A_266, %tanh3A_272 : vector<32x256xf32>
      %swap3A_274 = arith.constant 0 : index
      %swap3A_275 = arith.index_cast %arg1 : i32 to index
      %swap3A_276 = arith.constant 5 : index
      %swap3A_277 = arith.constant 0 : index
      %swap3A_278 = vector.load %arg13[%swap3A_274, %swap3A_275, %swap3A_276, %swap3A_277] : memref<32x4x16x256xf32, #tpu.memory_space<vmem>>, vector<32x1x1x256xf32>
      %swap3A_279 = vector.shape_cast %swap3A_278 : vector<32x1x1x256xf32> to vector<32x256xf32>
      %swap3A_280 = vector.shape_cast %mul3A_273 : vector<32x256xf32> to vector<32x1x1x256xf32>
      tpu.vector_store %arg13[%swap3A_274, %swap3A_275, %swap3A_276, %swap3A_277], %swap3A_280 {strides = array<i32>} : memref<32x4x16x256xf32, #tpu.memory_space<vmem>>, vector<32x1x1x256xf32>,
      %mul3A_281 = arith.constant 16 : i32
      %mul3A_282 = arith.muli %arg1, %mul3A_281 : i32
      %add3A_283 = arith.constant 64 : i32
      %add3A_284 = arith.addi %add3A_283, %mul3A_282 : i32
      %mul3A_285 = arith.constant 32 : i32
      %mul3A_286 = arith.muli %add3A_284, %mul3A_285 : i32
      %add3A_287 = arith.constant 192 : i32
      %add3A_288 = arith.addi %mul3A_286, %add3A_287 : i32
      %get3A_289 = arith.index_cast %add3A_288 : i32 to index
      %get3A_290 = arith.constant 0 : index
      %get3A_291 = vector.load %arg12[%get3A_289, %get3A_290] : memref<4096x1024xf32, #tpu.memory_space<vmem>>, vector<32x1024xf32>
      %convert_element_type3A_292 = arith.truncf %mul3A_273 : vector<32x256xf32> to vector<32x256xbf16>
      %get3A_293 = arith.constant 0 : index
      %get3A_294 = arith.constant 0 : index
      %get3A_295 = vector.load %arg7[%get3A_293, %get3A_294] : memref<1024x256xbf16, #tpu.memory_space<vmem>>, vector<1024x256xbf16>
      %dot_general3A_296 = arith.constant dense<0.000000e+00> : vector<32x1024xf32>
      %dot_general3A_297 = tpu.matmul %convert_element_type3A_292, %get3A_295, %dot_general3A_296 {dimension_numbers = #tpu.dot_dimension_numbers<[1], [1], [0], [0], [0, 0, 1, 0], [], []>, transpose_lhs_hint = false} : vector<32x256xbf16>, vector<1024x256xbf16>, vector<32x1024xf32> -> vector<32x1024xf32>
      %add3A_298 = arith.addf %get3A_291, %dot_general3A_297 : vector<32x1024xf32>
      %slice3A_299 = vector.extract_strided_slice %add3A_298 {offsets = [0, 0], sizes = [32, 768], strides = [1, 1]} : vector<32x1024xf32> to vector<32x768xf32>
      %logistic3A_300 = arith.negf %slice3A_299 : vector<32x768xf32>
      %logistic3A_301 = math.exp %logistic3A_300 : vector<32x768xf32>
      %logistic3A_302 = arith.constant 1.000000e+00 : f32
      %logistic3A_303 = vector.broadcast %logistic3A_302 : f32 to vector<32x768xf32>
      %logistic3A_304 = arith.addf %logistic3A_303, %logistic3A_301 : vector<32x768xf32>
      %logistic3A_305 = arith.divf %logistic3A_303, %logistic3A_304 : vector<32x768xf32>
      %slice3A_306 = vector.extract_strided_slice %logistic3A_305 {offsets = [0, 0], sizes = [32, 256], strides = [1, 1]} : vector<32x768xf32> to vector<32x256xf32>
      %slice3A_307 = vector.extract_strided_slice %logistic3A_305 {offsets = [0, 256], sizes = [32, 256], strides = [1, 1]} : vector<32x768xf32> to vector<32x256xf32>
      %slice3A_308 = vector.extract_strided_slice %logistic3A_305 {offsets = [0, 512], sizes = [32, 256], strides = [1, 1]} : vector<32x768xf32> to vector<32x256xf32>
      %slice3A_309 = vector.extract_strided_slice %add3A_298 {offsets = [0, 768], sizes = [32, 256], strides = [1, 1]} : vector<32x1024xf32> to vector<32x256xf32>
      %tanh3A_310 = math.tanh %slice3A_309 : vector<32x256xf32>
      %mul3A_311 = arith.mulf %slice3A_307, %add3A_271 : vector<32x256xf32>
      %mul3A_312 = arith.mulf %slice3A_306, %tanh3A_310 : vector<32x256xf32>
      %add3A_313 = arith.addf %mul3A_311, %mul3A_312 : vector<32x256xf32>
      %tanh3A_314 = math.tanh %add3A_313 : vector<32x256xf32>
      %mul3A_315 = arith.mulf %slice3A_308, %tanh3A_314 : vector<32x256xf32>
      %swap3A_316 = arith.constant 0 : index
      %swap3A_317 = arith.index_cast %arg1 : i32 to index
      %swap3A_318 = arith.constant 6 : index
      %swap3A_319 = arith.constant 0 : index
      %swap3A_320 = vector.load %arg13[%swap3A_316, %swap3A_317, %swap3A_318, %swap3A_319] : memref<32x4x16x256xf32, #tpu.memory_space<vmem>>, vector<32x1x1x256xf32>
      %swap3A_321 = vector.shape_cast %swap3A_320 : vector<32x1x1x256xf32> to vector<32x256xf32>
      %swap3A_322 = vector.shape_cast %mul3A_315 : vector<32x256xf32> to vector<32x1x1x256xf32>
      tpu.vector_store %arg13[%swap3A_316, %swap3A_317, %swap3A_318, %swap3A_319], %swap3A_322 {strides = array<i32>} : memref<32x4x16x256xf32, #tpu.memory_space<vmem>>, vector<32x1x1x256xf32>,
      %mul3A_323 = arith.constant 16 : i32
      %mul3A_324 = arith.muli %arg1, %mul3A_323 : i32
      %add3A_325 = arith.constant 64 : i32
      %add3A_326 = arith.addi %add3A_325, %mul3A_324 : i32
      %mul3A_327 = arith.constant 32 : i32
      %mul3A_328 = arith.muli %add3A_326, %mul3A_327 : i32
      %add3A_329 = arith.constant 224 : i32
      %add3A_330 = arith.addi %mul3A_328, %add3A_329 : i32
      %get3A_331 = arith.index_cast %add3A_330 : i32 to index
      %get3A_332 = arith.constant 0 : index
      %get3A_333 = vector.load %arg12[%get3A_331, %get3A_332] : memref<4096x1024xf32, #tpu.memory_space<vmem>>, vector<32x1024xf32>
      %convert_element_type3A_334 = arith.truncf %mul3A_315 : vector<32x256xf32> to vector<32x256xbf16>
      %get3A_335 = arith.constant 0 : index
      %get3A_336 = arith.constant 0 : index
      %get3A_337 = vector.load %arg7[%get3A_335, %get3A_336] : memref<1024x256xbf16, #tpu.memory_space<vmem>>, vector<1024x256xbf16>
      %dot_general3A_338 = arith.constant dense<0.000000e+00> : vector<32x1024xf32>
      %dot_general3A_339 = tpu.matmul %convert_element_type3A_334, %get3A_337, %dot_general3A_338 {dimension_numbers = #tpu.dot_dimension_numbers<[1], [1], [0], [0], [0, 0, 1, 0], [], []>, transpose_lhs_hint = false} : vector<32x256xbf16>, vector<1024x256xbf16>, vector<32x1024xf32> -> vector<32x1024xf32>
      %add3A_340 = arith.addf %get3A_333, %dot_general3A_339 : vector<32x1024xf32>
      %slice3A_341 = vector.extract_strided_slice %add3A_340 {offsets = [0, 0], sizes = [32, 768], strides = [1, 1]} : vector<32x1024xf32> to vector<32x768xf32>
      %logistic3A_342 = arith.negf %slice3A_341 : vector<32x768xf32>
      %logistic3A_343 = math.exp %logistic3A_342 : vector<32x768xf32>
      %logistic3A_344 = arith.constant 1.000000e+00 : f32
      %logistic3A_345 = vector.broadcast %logistic3A_344 : f32 to vector<32x768xf32>
      %logistic3A_346 = arith.addf %logistic3A_345, %logistic3A_343 : vector<32x768xf32>
      %logistic3A_347 = arith.divf %logistic3A_345, %logistic3A_346 : vector<32x768xf32>
      %slice3A_348 = vector.extract_strided_slice %logistic3A_347 {offsets = [0, 0], sizes = [32, 256], strides = [1, 1]} : vector<32x768xf32> to vector<32x256xf32>
      %slice3A_349 = vector.extract_strided_slice %logistic3A_347 {offsets = [0, 256], sizes = [32, 256], strides = [1, 1]} : vector<32x768xf32> to vector<32x256xf32>
      %slice3A_350 = vector.extract_strided_slice %logistic3A_347 {offsets = [0, 512], sizes = [32, 256], strides = [1, 1]} : vector<32x768xf32> to vector<32x256xf32>
      %slice3A_351 = vector.extract_strided_slice %add3A_340 {offsets = [0, 768], sizes = [32, 256], strides = [1, 1]} : vector<32x1024xf32> to vector<32x256xf32>
      %tanh3A_352 = math.tanh %slice3A_351 : vector<32x256xf32>
      %mul3A_353 = arith.mulf %slice3A_349, %add3A_313 : vector<32x256xf32>
      %mul3A_354 = arith.mulf %slice3A_348, %tanh3A_352 : vector<32x256xf32>
      %add3A_355 = arith.addf %mul3A_353, %mul3A_354 : vector<32x256xf32>
      %tanh3A_356 = math.tanh %add3A_355 : vector<32x256xf32>
      %mul3A_357 = arith.mulf %slice3A_350, %tanh3A_356 : vector<32x256xf32>
      %swap3A_358 = arith.constant 0 : index
      %swap3A_359 = arith.index_cast %arg1 : i32 to index
      %swap3A_360 = arith.constant 7 : index
      %swap3A_361 = arith.constant 0 : index
      %swap3A_362 = vector.load %arg13[%swap3A_358, %swap3A_359, %swap3A_360, %swap3A_361] : memref<32x4x16x256xf32, #tpu.memory_space<vmem>>, vector<32x1x1x256xf32>
      %swap3A_363 = vector.shape_cast %swap3A_362 : vector<32x1x1x256xf32> to vector<32x256xf32>
      %swap3A_364 = vector.shape_cast %mul3A_357 : vector<32x256xf32> to vector<32x1x1x256xf32>
      tpu.vector_store %arg13[%swap3A_358, %swap3A_359, %swap3A_360, %swap3A_361], %swap3A_364 {strides = array<i32>} : memref<32x4x16x256xf32, #tpu.memory_space<vmem>>, vector<32x1x1x256xf32>,
      %mul3A_365 = arith.constant 16 : i32
      %mul3A_366 = arith.muli %arg1, %mul3A_365 : i32
      %add3A_367 = arith.constant 64 : i32
      %add3A_368 = arith.addi %add3A_367, %mul3A_366 : i32
      %mul3A_369 = arith.constant 32 : i32
      %mul3A_370 = arith.muli %add3A_368, %mul3A_369 : i32
      %add3A_371 = arith.constant 256 : i32
      %add3A_372 = arith.addi %mul3A_370, %add3A_371 : i32
      %get3A_373 = arith.index_cast %add3A_372 : i32 to index
      %get3A_374 = arith.constant 0 : index
      %get3A_375 = vector.load %arg12[%get3A_373, %get3A_374] : memref<4096x1024xf32, #tpu.memory_space<vmem>>, vector<32x1024xf32>
      %convert_element_type3A_376 = arith.truncf %mul3A_357 : vector<32x256xf32> to vector<32x256xbf16>
      %get3A_377 = arith.constant 0 : index
      %get3A_378 = arith.constant 0 : index
      %get3A_379 = vector.load %arg7[%get3A_377, %get3A_378] : memref<1024x256xbf16, #tpu.memory_space<vmem>>, vector<1024x256xbf16>
      %dot_general3A_380 = arith.constant dense<0.000000e+00> : vector<32x1024xf32>
      %dot_general3A_381 = tpu.matmul %convert_element_type3A_376, %get3A_379, %dot_general3A_380 {dimension_numbers = #tpu.dot_dimension_numbers<[1], [1], [0], [0], [0, 0, 1, 0], [], []>, transpose_lhs_hint = false} : vector<32x256xbf16>, vector<1024x256xbf16>, vector<32x1024xf32> -> vector<32x1024xf32>
      %add3A_382 = arith.addf %get3A_375, %dot_general3A_381 : vector<32x1024xf32>
      %slice3A_383 = vector.extract_strided_slice %add3A_382 {offsets = [0, 0], sizes = [32, 768], strides = [1, 1]} : vector<32x1024xf32> to vector<32x768xf32>
      %logistic3A_384 = arith.negf %slice3A_383 : vector<32x768xf32>
      %logistic3A_385 = math.exp %logistic3A_384 : vector<32x768xf32>
      %logistic3A_386 = arith.constant 1.000000e+00 : f32
      %logistic3A_387 = vector.broadcast %logistic3A_386 : f32 to vector<32x768xf32>
      %logistic3A_388 = arith.addf %logistic3A_387, %logistic3A_385 : vector<32x768xf32>
      %logistic3A_389 = arith.divf %logistic3A_387, %logistic3A_388 : vector<32x768xf32>
      %slice3A_390 = vector.extract_strided_slice %logistic3A_389 {offsets = [0, 0], sizes = [32, 256], strides = [1, 1]} : vector<32x768xf32> to vector<32x256xf32>
      %slice3A_391 = vector.extract_strided_slice %logistic3A_389 {offsets = [0, 256], sizes = [32, 256], strides = [1, 1]} : vector<32x768xf32> to vector<32x256xf32>
      %slice3A_392 = vector.extract_strided_slice %logistic3A_389 {offsets = [0, 512], sizes = [32, 256], strides = [1, 1]} : vector<32x768xf32> to vector<32x256xf32>
      %slice3A_393 = vector.extract_strided_slice %add3A_382 {offsets = [0, 768], sizes = [32, 256], strides = [1, 1]} : vector<32x1024xf32> to vector<32x256xf32>
      %tanh3A_394 = math.tanh %slice3A_393 : vector<32x256xf32>
      %mul3A_395 = arith.mulf %slice3A_391, %add3A_355 : vector<32x256xf32>
      %mul3A_396 = arith.mulf %slice3A_390, %tanh3A_394 : vector<32x256xf32>
      %add3A_397 = arith.addf %mul3A_395, %mul3A_396 : vector<32x256xf32>
      %tanh3A_398 = math.tanh %add3A_397 : vector<32x256xf32>
      %mul3A_399 = arith.mulf %slice3A_392, %tanh3A_398 : vector<32x256xf32>
      %swap3A_400 = arith.constant 0 : index
      %swap3A_401 = arith.index_cast %arg1 : i32 to index
      %swap3A_402 = arith.constant 8 : index
      %swap3A_403 = arith.constant 0 : index
      %swap3A_404 = vector.load %arg13[%swap3A_400, %swap3A_401, %swap3A_402, %swap3A_403] : memref<32x4x16x256xf32, #tpu.memory_space<vmem>>, vector<32x1x1x256xf32>
      %swap3A_405 = vector.shape_cast %swap3A_404 : vector<32x1x1x256xf32> to vector<32x256xf32>
      %swap3A_406 = vector.shape_cast %mul3A_399 : vector<32x256xf32> to vector<32x1x1x256xf32>
      tpu.vector_store %arg13[%swap3A_400, %swap3A_401, %swap3A_402, %swap3A_403], %swap3A_406 {strides = array<i32>} : memref<32x4x16x256xf32, #tpu.memory_space<vmem>>, vector<32x1x1x256xf32>,
      %mul3A_407 = arith.constant 16 : i32
      %mul3A_408 = arith.muli %arg1, %mul3A_407 : i32
      %add3A_409 = arith.constant 64 : i32
      %add3A_410 = arith.addi %add3A_409, %mul3A_408 : i32
      %mul3A_411 = arith.constant 32 : i32
      %mul3A_412 = arith.muli %add3A_410, %mul3A_411 : i32
      %add3A_413 = arith.constant 288 : i32
      %add3A_414 = arith.addi %mul3A_412, %add3A_413 : i32
      %get3A_415 = arith.index_cast %add3A_414 : i32 to index
      %get3A_416 = arith.constant 0 : index
      %get3A_417 = vector.load %arg12[%get3A_415, %get3A_416] : memref<4096x1024xf32, #tpu.memory_space<vmem>>, vector<32x1024xf32>
      %convert_element_type3A_418 = arith.truncf %mul3A_399 : vector<32x256xf32> to vector<32x256xbf16>
      %get3A_419 = arith.constant 0 : index
      %get3A_420 = arith.constant 0 : index
      %get3A_421 = vector.load %arg7[%get3A_419, %get3A_420] : memref<1024x256xbf16, #tpu.memory_space<vmem>>, vector<1024x256xbf16>
      %dot_general3A_422 = arith.constant dense<0.000000e+00> : vector<32x1024xf32>
      %dot_general3A_423 = tpu.matmul %convert_element_type3A_418, %get3A_421, %dot_general3A_422 {dimension_numbers = #tpu.dot_dimension_numbers<[1], [1], [0], [0], [0, 0, 1, 0], [], []>, transpose_lhs_hint = false} : vector<32x256xbf16>, vector<1024x256xbf16>, vector<32x1024xf32> -> vector<32x1024xf32>
      %add3A_424 = arith.addf %get3A_417, %dot_general3A_423 : vector<32x1024xf32>
      %slice3A_425 = vector.extract_strided_slice %add3A_424 {offsets = [0, 0], sizes = [32, 768], strides = [1, 1]} : vector<32x1024xf32> to vector<32x768xf32>
      %logistic3A_426 = arith.negf %slice3A_425 : vector<32x768xf32>
      %logistic3A_427 = math.exp %logistic3A_426 : vector<32x768xf32>
      %logistic3A_428 = arith.constant 1.000000e+00 : f32
      %logistic3A_429 = vector.broadcast %logistic3A_428 : f32 to vector<32x768xf32>
      %logistic3A_430 = arith.addf %logistic3A_429, %logistic3A_427 : vector<32x768xf32>
      %logistic3A_431 = arith.divf %logistic3A_429, %logistic3A_430 : vector<32x768xf32>
      %slice3A_432 = vector.extract_strided_slice %logistic3A_431 {offsets = [0, 0], sizes = [32, 256], strides = [1, 1]} : vector<32x768xf32> to vector<32x256xf32>
      %slice3A_433 = vector.extract_strided_slice %logistic3A_431 {offsets = [0, 256], sizes = [32, 256], strides = [1, 1]} : vector<32x768xf32> to vector<32x256xf32>
      %slice3A_434 = vector.extract_strided_slice %logistic3A_431 {offsets = [0, 512], sizes = [32, 256], strides = [1, 1]} : vector<32x768xf32> to vector<32x256xf32>
      %slice3A_435 = vector.extract_strided_slice %add3A_424 {offsets = [0, 768], sizes = [32, 256], strides = [1, 1]} : vector<32x1024xf32> to vector<32x256xf32>
      %tanh3A_436 = math.tanh %slice3A_435 : vector<32x256xf32>
      %mul3A_437 = arith.mulf %slice3A_433, %add3A_397 : vector<32x256xf32>
      %mul3A_438 = arith.mulf %slice3A_432, %tanh3A_436 : vector<32x256xf32>
      %add3A_439 = arith.addf %mul3A_437, %mul3A_438 : vector<32x256xf32>
      %tanh3A_440 = math.tanh %add3A_439 : vector<32x256xf32>
      %mul3A_441 = arith.mulf %slice3A_434, %tanh3A_440 : vector<32x256xf32>
      %swap3A_442 = arith.constant 0 : index
      %swap3A_443 = arith.index_cast %arg1 : i32 to index
      %swap3A_444 = arith.constant 9 : index
      %swap3A_445 = arith.constant 0 : index
      %swap3A_446 = vector.load %arg13[%swap3A_442, %swap3A_443, %swap3A_444, %swap3A_445] : memref<32x4x16x256xf32, #tpu.memory_space<vmem>>, vector<32x1x1x256xf32>
      %swap3A_447 = vector.shape_cast %swap3A_446 : vector<32x1x1x256xf32> to vector<32x256xf32>
      %swap3A_448 = vector.shape_cast %mul3A_441 : vector<32x256xf32> to vector<32x1x1x256xf32>
      tpu.vector_store %arg13[%swap3A_442, %swap3A_443, %swap3A_444, %swap3A_445], %swap3A_448 {strides = array<i32>} : memref<32x4x16x256xf32, #tpu.memory_space<vmem>>, vector<32x1x1x256xf32>,
      %mul3A_449 = arith.constant 16 : i32
      %mul3A_450 = arith.muli %arg1, %mul3A_449 : i32
      %add3A_451 = arith.constant 64 : i32
      %add3A_452 = arith.addi %add3A_451, %mul3A_450 : i32
      %mul3A_453 = arith.constant 32 : i32
      %mul3A_454 = arith.muli %add3A_452, %mul3A_453 : i32
      %add3A_455 = arith.constant 320 : i32
      %add3A_456 = arith.addi %mul3A_454, %add3A_455 : i32
      %get3A_457 = arith.index_cast %add3A_456 : i32 to index
      %get3A_458 = arith.constant 0 : index
      %get3A_459 = vector.load %arg12[%get3A_457, %get3A_458] : memref<4096x1024xf32, #tpu.memory_space<vmem>>, vector<32x1024xf32>
      %convert_element_type3A_460 = arith.truncf %mul3A_441 : vector<32x256xf32> to vector<32x256xbf16>
      %get3A_461 = arith.constant 0 : index
      %get3A_462 = arith.constant 0 : index
      %get3A_463 = vector.load %arg7[%get3A_461, %get3A_462] : memref<1024x256xbf16, #tpu.memory_space<vmem>>, vector<1024x256xbf16>
      %dot_general3A_464 = arith.constant dense<0.000000e+00> : vector<32x1024xf32>
      %dot_general3A_465 = tpu.matmul %convert_element_type3A_460, %get3A_463, %dot_general3A_464 {dimension_numbers = #tpu.dot_dimension_numbers<[1], [1], [0], [0], [0, 0, 1, 0], [], []>, transpose_lhs_hint = false} : vector<32x256xbf16>, vector<1024x256xbf16>, vector<32x1024xf32> -> vector<32x1024xf32>
      %add3A_466 = arith.addf %get3A_459, %dot_general3A_465 : vector<32x1024xf32>
      %slice3A_467 = vector.extract_strided_slice %add3A_466 {offsets = [0, 0], sizes = [32, 768], strides = [1, 1]} : vector<32x1024xf32> to vector<32x768xf32>
      %logistic3A_468 = arith.negf %slice3A_467 : vector<32x768xf32>
      %logistic3A_469 = math.exp %logistic3A_468 : vector<32x768xf32>
      %logistic3A_470 = arith.constant 1.000000e+00 : f32
      %logistic3A_471 = vector.broadcast %logistic3A_470 : f32 to vector<32x768xf32>
      %logistic3A_472 = arith.addf %logistic3A_471, %logistic3A_469 : vector<32x768xf32>
      %logistic3A_473 = arith.divf %logistic3A_471, %logistic3A_472 : vector<32x768xf32>
      %slice3A_474 = vector.extract_strided_slice %logistic3A_473 {offsets = [0, 0], sizes = [32, 256], strides = [1, 1]} : vector<32x768xf32> to vector<32x256xf32>
      %slice3A_475 = vector.extract_strided_slice %logistic3A_473 {offsets = [0, 256], sizes = [32, 256], strides = [1, 1]} : vector<32x768xf32> to vector<32x256xf32>
      %slice3A_476 = vector.extract_strided_slice %logistic3A_473 {offsets = [0, 512], sizes = [32, 256], strides = [1, 1]} : vector<32x768xf32> to vector<32x256xf32>
      %slice3A_477 = vector.extract_strided_slice %add3A_466 {offsets = [0, 768], sizes = [32, 256], strides = [1, 1]} : vector<32x1024xf32> to vector<32x256xf32>
      %tanh3A_478 = math.tanh %slice3A_477 : vector<32x256xf32>
      %mul3A_479 = arith.mulf %slice3A_475, %add3A_439 : vector<32x256xf32>
      %mul3A_480 = arith.mulf %slice3A_474, %tanh3A_478 : vector<32x256xf32>
      %add3A_481 = arith.addf %mul3A_479, %mul3A_480 : vector<32x256xf32>
      %tanh3A_482 = math.tanh %add3A_481 : vector<32x256xf32>
      %mul3A_483 = arith.mulf %slice3A_476, %tanh3A_482 : vector<32x256xf32>
      %swap3A_484 = arith.constant 0 : index
      %swap3A_485 = arith.index_cast %arg1 : i32 to index
      %swap3A_486 = arith.constant 10 : index
      %swap3A_487 = arith.constant 0 : index
      %swap3A_488 = vector.load %arg13[%swap3A_484, %swap3A_485, %swap3A_486, %swap3A_487] : memref<32x4x16x256xf32, #tpu.memory_space<vmem>>, vector<32x1x1x256xf32>
      %swap3A_489 = vector.shape_cast %swap3A_488 : vector<32x1x1x256xf32> to vector<32x256xf32>
      %swap3A_490 = vector.shape_cast %mul3A_483 : vector<32x256xf32> to vector<32x1x1x256xf32>
      tpu.vector_store %arg13[%swap3A_484, %swap3A_485, %swap3A_486, %swap3A_487], %swap3A_490 {strides = array<i32>} : memref<32x4x16x256xf32, #tpu.memory_space<vmem>>, vector<32x1x1x256xf32>,
      %mul3A_491 = arith.constant 16 : i32
      %mul3A_492 = arith.muli %arg1, %mul3A_491 : i32
      %add3A_493 = arith.constant 64 : i32
      %add3A_494 = arith.addi %add3A_493, %mul3A_492 : i32
      %mul3A_495 = arith.constant 32 : i32
      %mul3A_496 = arith.muli %add3A_494, %mul3A_495 : i32
      %add3A_497 = arith.constant 352 : i32
      %add3A_498 = arith.addi %mul3A_496, %add3A_497 : i32
      %get3A_499 = arith.index_cast %add3A_498 : i32 to index
      %get3A_500 = arith.constant 0 : index
      %get3A_501 = vector.load %arg12[%get3A_499, %get3A_500] : memref<4096x1024xf32, #tpu.memory_space<vmem>>, vector<32x1024xf32>
      %convert_element_type3A_502 = arith.truncf %mul3A_483 : vector<32x256xf32> to vector<32x256xbf16>
      %get3A_503 = arith.constant 0 : index
      %get3A_504 = arith.constant 0 : index
      %get3A_505 = vector.load %arg7[%get3A_503, %get3A_504] : memref<1024x256xbf16, #tpu.memory_space<vmem>>, vector<1024x256xbf16>
      %dot_general3A_506 = arith.constant dense<0.000000e+00> : vector<32x1024xf32>
      %dot_general3A_507 = tpu.matmul %convert_element_type3A_502, %get3A_505, %dot_general3A_506 {dimension_numbers = #tpu.dot_dimension_numbers<[1], [1], [0], [0], [0, 0, 1, 0], [], []>, transpose_lhs_hint = false} : vector<32x256xbf16>, vector<1024x256xbf16>, vector<32x1024xf32> -> vector<32x1024xf32>
      %add3A_508 = arith.addf %get3A_501, %dot_general3A_507 : vector<32x1024xf32>
      %slice3A_509 = vector.extract_strided_slice %add3A_508 {offsets = [0, 0], sizes = [32, 768], strides = [1, 1]} : vector<32x1024xf32> to vector<32x768xf32>
      %logistic3A_510 = arith.negf %slice3A_509 : vector<32x768xf32>
      %logistic3A_511 = math.exp %logistic3A_510 : vector<32x768xf32>
      %logistic3A_512 = arith.constant 1.000000e+00 : f32
      %logistic3A_513 = vector.broadcast %logistic3A_512 : f32 to vector<32x768xf32>
      %logistic3A_514 = arith.addf %logistic3A_513, %logistic3A_511 : vector<32x768xf32>
      %logistic3A_515 = arith.divf %logistic3A_513, %logistic3A_514 : vector<32x768xf32>
      %slice3A_516 = vector.extract_strided_slice %logistic3A_515 {offsets = [0, 0], sizes = [32, 256], strides = [1, 1]} : vector<32x768xf32> to vector<32x256xf32>
      %slice3A_517 = vector.extract_strided_slice %logistic3A_515 {offsets = [0, 256], sizes = [32, 256], strides = [1, 1]} : vector<32x768xf32> to vector<32x256xf32>
      %slice3A_518 = vector.extract_strided_slice %logistic3A_515 {offsets = [0, 512], sizes = [32, 256], strides = [1, 1]} : vector<32x768xf32> to vector<32x256xf32>
      %slice3A_519 = vector.extract_strided_slice %add3A_508 {offsets = [0, 768], sizes = [32, 256], strides = [1, 1]} : vector<32x1024xf32> to vector<32x256xf32>
      %tanh3A_520 = math.tanh %slice3A_519 : vector<32x256xf32>
      %mul3A_521 = arith.mulf %slice3A_517, %add3A_481 : vector<32x256xf32>
      %mul3A_522 = arith.mulf %slice3A_516, %tanh3A_520 : vector<32x256xf32>
      %add3A_523 = arith.addf %mul3A_521, %mul3A_522 : vector<32x256xf32>
      %tanh3A_524 = math.tanh %add3A_523 : vector<32x256xf32>
      %mul3A_525 = arith.mulf %slice3A_518, %tanh3A_524 : vector<32x256xf32>
      %swap3A_526 = arith.constant 0 : index
      %swap3A_527 = arith.index_cast %arg1 : i32 to index
      %swap3A_528 = arith.constant 11 : index
      %swap3A_529 = arith.constant 0 : index
      %swap3A_530 = vector.load %arg13[%swap3A_526, %swap3A_527, %swap3A_528, %swap3A_529] : memref<32x4x16x256xf32, #tpu.memory_space<vmem>>, vector<32x1x1x256xf32>
      %swap3A_531 = vector.shape_cast %swap3A_530 : vector<32x1x1x256xf32> to vector<32x256xf32>
      %swap3A_532 = vector.shape_cast %mul3A_525 : vector<32x256xf32> to vector<32x1x1x256xf32>
      tpu.vector_store %arg13[%swap3A_526, %swap3A_527, %swap3A_528, %swap3A_529], %swap3A_532 {strides = array<i32>} : memref<32x4x16x256xf32, #tpu.memory_space<vmem>>, vector<32x1x1x256xf32>,
      %mul3A_533 = arith.constant 16 : i32
      %mul3A_534 = arith.muli %arg1, %mul3A_533 : i32
      %add3A_535 = arith.constant 64 : i32
      %add3A_536 = arith.addi %add3A_535, %mul3A_534 : i32
      %mul3A_537 = arith.constant 32 : i32
      %mul3A_538 = arith.muli %add3A_536, %mul3A_537 : i32
      %add3A_539 = arith.constant 384 : i32
      %add3A_540 = arith.addi %mul3A_538, %add3A_539 : i32
      %get3A_541 = arith.index_cast %add3A_540 : i32 to index
      %get3A_542 = arith.constant 0 : index
      %get3A_543 = vector.load %arg12[%get3A_541, %get3A_542] : memref<4096x1024xf32, #tpu.memory_space<vmem>>, vector<32x1024xf32>
      %convert_element_type3A_544 = arith.truncf %mul3A_525 : vector<32x256xf32> to vector<32x256xbf16>
      %get3A_545 = arith.constant 0 : index
      %get3A_546 = arith.constant 0 : index
      %get3A_547 = vector.load %arg7[%get3A_545, %get3A_546] : memref<1024x256xbf16, #tpu.memory_space<vmem>>, vector<1024x256xbf16>
      %dot_general3A_548 = arith.constant dense<0.000000e+00> : vector<32x1024xf32>
      %dot_general3A_549 = tpu.matmul %convert_element_type3A_544, %get3A_547, %dot_general3A_548 {dimension_numbers = #tpu.dot_dimension_numbers<[1], [1], [0], [0], [0, 0, 1, 0], [], []>, transpose_lhs_hint = false} : vector<32x256xbf16>, vector<1024x256xbf16>, vector<32x1024xf32> -> vector<32x1024xf32>
      %add3A_550 = arith.addf %get3A_543, %dot_general3A_549 : vector<32x1024xf32>
      %slice3A_551 = vector.extract_strided_slice %add3A_550 {offsets = [0, 0], sizes = [32, 768], strides = [1, 1]} : vector<32x1024xf32> to vector<32x768xf32>
      %logistic3A_552 = arith.negf %slice3A_551 : vector<32x768xf32>
      %logistic3A_553 = math.exp %logistic3A_552 : vector<32x768xf32>
      %logistic3A_554 = arith.constant 1.000000e+00 : f32
      %logistic3A_555 = vector.broadcast %logistic3A_554 : f32 to vector<32x768xf32>
      %logistic3A_556 = arith.addf %logistic3A_555, %logistic3A_553 : vector<32x768xf32>
      %logistic3A_557 = arith.divf %logistic3A_555, %logistic3A_556 : vector<32x768xf32>
      %slice3A_558 = vector.extract_strided_slice %logistic3A_557 {offsets = [0, 0], sizes = [32, 256], strides = [1, 1]} : vector<32x768xf32> to vector<32x256xf32>
      %slice3A_559 = vector.extract_strided_slice %logistic3A_557 {offsets = [0, 256], sizes = [32, 256], strides = [1, 1]} : vector<32x768xf32> to vector<32x256xf32>
      %slice3A_560 = vector.extract_strided_slice %logistic3A_557 {offsets = [0, 512], sizes = [32, 256], strides = [1, 1]} : vector<32x768xf32> to vector<32x256xf32>
      %slice3A_561 = vector.extract_strided_slice %add3A_550 {offsets = [0, 768], sizes = [32, 256], strides = [1, 1]} : vector<32x1024xf32> to vector<32x256xf32>
      %tanh3A_562 = math.tanh %slice3A_561 : vector<32x256xf32>
      %mul3A_563 = arith.mulf %slice3A_559, %add3A_523 : vector<32x256xf32>
      %mul3A_564 = arith.mulf %slice3A_558, %tanh3A_562 : vector<32x256xf32>
      %add3A_565 = arith.addf %mul3A_563, %mul3A_564 : vector<32x256xf32>
      %tanh3A_566 = math.tanh %add3A_565 : vector<32x256xf32>
      %mul3A_567 = arith.mulf %slice3A_560, %tanh3A_566 : vector<32x256xf32>
      %swap3A_568 = arith.constant 0 : index
      %swap3A_569 = arith.index_cast %arg1 : i32 to index
      %swap3A_570 = arith.constant 12 : index
      %swap3A_571 = arith.constant 0 : index
      %swap3A_572 = vector.load %arg13[%swap3A_568, %swap3A_569, %swap3A_570, %swap3A_571] : memref<32x4x16x256xf32, #tpu.memory_space<vmem>>, vector<32x1x1x256xf32>
      %swap3A_573 = vector.shape_cast %swap3A_572 : vector<32x1x1x256xf32> to vector<32x256xf32>
      %swap3A_574 = vector.shape_cast %mul3A_567 : vector<32x256xf32> to vector<32x1x1x256xf32>
      tpu.vector_store %arg13[%swap3A_568, %swap3A_569, %swap3A_570, %swap3A_571], %swap3A_574 {strides = array<i32>} : memref<32x4x16x256xf32, #tpu.memory_space<vmem>>, vector<32x1x1x256xf32>,
      %mul3A_575 = arith.constant 16 : i32
      %mul3A_576 = arith.muli %arg1, %mul3A_575 : i32
      %add3A_577 = arith.constant 64 : i32
      %add3A_578 = arith.addi %add3A_577, %mul3A_576 : i32
      %mul3A_579 = arith.constant 32 : i32
      %mul3A_580 = arith.muli %add3A_578, %mul3A_579 : i32
      %add3A_581 = arith.constant 416 : i32
      %add3A_582 = arith.addi %mul3A_580, %add3A_581 : i32
      %get3A_583 = arith.index_cast %add3A_582 : i32 to index
      %get3A_584 = arith.constant 0 : index
      %get3A_585 = vector.load %arg12[%get3A_583, %get3A_584] : memref<4096x1024xf32, #tpu.memory_space<vmem>>, vector<32x1024xf32>
      %convert_element_type3A_586 = arith.truncf %mul3A_567 : vector<32x256xf32> to vector<32x256xbf16>
      %get3A_587 = arith.constant 0 : index
      %get3A_588 = arith.constant 0 : index
      %get3A_589 = vector.load %arg7[%get3A_587, %get3A_588] : memref<1024x256xbf16, #tpu.memory_space<vmem>>, vector<1024x256xbf16>
      %dot_general3A_590 = arith.constant dense<0.000000e+00> : vector<32x1024xf32>
      %dot_general3A_591 = tpu.matmul %convert_element_type3A_586, %get3A_589, %dot_general3A_590 {dimension_numbers = #tpu.dot_dimension_numbers<[1], [1], [0], [0], [0, 0, 1, 0], [], []>, transpose_lhs_hint = false} : vector<32x256xbf16>, vector<1024x256xbf16>, vector<32x1024xf32> -> vector<32x1024xf32>
      %add3A_592 = arith.addf %get3A_585, %dot_general3A_591 : vector<32x1024xf32>
      %slice3A_593 = vector.extract_strided_slice %add3A_592 {offsets = [0, 0], sizes = [32, 768], strides = [1, 1]} : vector<32x1024xf32> to vector<32x768xf32>
      %logistic3A_594 = arith.negf %slice3A_593 : vector<32x768xf32>
      %logistic3A_595 = math.exp %logistic3A_594 : vector<32x768xf32>
      %logistic3A_596 = arith.constant 1.000000e+00 : f32
      %logistic3A_597 = vector.broadcast %logistic3A_596 : f32 to vector<32x768xf32>
      %logistic3A_598 = arith.addf %logistic3A_597, %logistic3A_595 : vector<32x768xf32>
      %logistic3A_599 = arith.divf %logistic3A_597, %logistic3A_598 : vector<32x768xf32>
      %slice3A_600 = vector.extract_strided_slice %logistic3A_599 {offsets = [0, 0], sizes = [32, 256], strides = [1, 1]} : vector<32x768xf32> to vector<32x256xf32>
      %slice3A_601 = vector.extract_strided_slice %logistic3A_599 {offsets = [0, 256], sizes = [32, 256], strides = [1, 1]} : vector<32x768xf32> to vector<32x256xf32>
      %slice3A_602 = vector.extract_strided_slice %logistic3A_599 {offsets = [0, 512], sizes = [32, 256], strides = [1, 1]} : vector<32x768xf32> to vector<32x256xf32>
      %slice3A_603 = vector.extract_strided_slice %add3A_592 {offsets = [0, 768], sizes = [32, 256], strides = [1, 1]} : vector<32x1024xf32> to vector<32x256xf32>
      %tanh3A_604 = math.tanh %slice3A_603 : vector<32x256xf32>
      %mul3A_605 = arith.mulf %slice3A_601, %add3A_565 : vector<32x256xf32>
      %mul3A_606 = arith.mulf %slice3A_600, %tanh3A_604 : vector<32x256xf32>
      %add3A_607 = arith.addf %mul3A_605, %mul3A_606 : vector<32x256xf32>
      %tanh3A_608 = math.tanh %add3A_607 : vector<32x256xf32>
      %mul3A_609 = arith.mulf %slice3A_602, %tanh3A_608 : vector<32x256xf32>
      %swap3A_610 = arith.constant 0 : index
      %swap3A_611 = arith.index_cast %arg1 : i32 to index
      %swap3A_612 = arith.constant 13 : index
      %swap3A_613 = arith.constant 0 : index
      %swap3A_614 = vector.load %arg13[%swap3A_610, %swap3A_611, %swap3A_612, %swap3A_613] : memref<32x4x16x256xf32, #tpu.memory_space<vmem>>, vector<32x1x1x256xf32>
      %swap3A_615 = vector.shape_cast %swap3A_614 : vector<32x1x1x256xf32> to vector<32x256xf32>
      %swap3A_616 = vector.shape_cast %mul3A_609 : vector<32x256xf32> to vector<32x1x1x256xf32>
      tpu.vector_store %arg13[%swap3A_610, %swap3A_611, %swap3A_612, %swap3A_613], %swap3A_616 {strides = array<i32>} : memref<32x4x16x256xf32, #tpu.memory_space<vmem>>, vector<32x1x1x256xf32>,
      %mul3A_617 = arith.constant 16 : i32
      %mul3A_618 = arith.muli %arg1, %mul3A_617 : i32
      %add3A_619 = arith.constant 64 : i32
      %add3A_620 = arith.addi %add3A_619, %mul3A_618 : i32
      %mul3A_621 = arith.constant 32 : i32
      %mul3A_622 = arith.muli %add3A_620, %mul3A_621 : i32
      %add3A_623 = arith.constant 448 : i32
      %add3A_624 = arith.addi %mul3A_622, %add3A_623 : i32
      %get3A_625 = arith.index_cast %add3A_624 : i32 to index
      %get3A_626 = arith.constant 0 : index
      %get3A_627 = vector.load %arg12[%get3A_625, %get3A_626] : memref<4096x1024xf32, #tpu.memory_space<vmem>>, vector<32x1024xf32>
      %convert_element_type3A_628 = arith.truncf %mul3A_609 : vector<32x256xf32> to vector<32x256xbf16>
      %get3A_629 = arith.constant 0 : index
      %get3A_630 = arith.constant 0 : index
      %get3A_631 = vector.load %arg7[%get3A_629, %get3A_630] : memref<1024x256xbf16, #tpu.memory_space<vmem>>, vector<1024x256xbf16>
      %dot_general3A_632 = arith.constant dense<0.000000e+00> : vector<32x1024xf32>
      %dot_general3A_633 = tpu.matmul %convert_element_type3A_628, %get3A_631, %dot_general3A_632 {dimension_numbers = #tpu.dot_dimension_numbers<[1], [1], [0], [0], [0, 0, 1, 0], [], []>, transpose_lhs_hint = false} : vector<32x256xbf16>, vector<1024x256xbf16>, vector<32x1024xf32> -> vector<32x1024xf32>
      %add3A_634 = arith.addf %get3A_627, %dot_general3A_633 : vector<32x1024xf32>
      %slice3A_635 = vector.extract_strided_slice %add3A_634 {offsets = [0, 0], sizes = [32, 768], strides = [1, 1]} : vector<32x1024xf32> to vector<32x768xf32>
      %logistic3A_636 = arith.negf %slice3A_635 : vector<32x768xf32>
      %logistic3A_637 = math.exp %logistic3A_636 : vector<32x768xf32>
      %logistic3A_638 = arith.constant 1.000000e+00 : f32
      %logistic3A_639 = vector.broadcast %logistic3A_638 : f32 to vector<32x768xf32>
      %logistic3A_640 = arith.addf %logistic3A_639, %logistic3A_637 : vector<32x768xf32>
      %logistic3A_641 = arith.divf %logistic3A_639, %logistic3A_640 : vector<32x768xf32>
      %slice3A_642 = vector.extract_strided_slice %logistic3A_641 {offsets = [0, 0], sizes = [32, 256], strides = [1, 1]} : vector<32x768xf32> to vector<32x256xf32>
      %slice3A_643 = vector.extract_strided_slice %logistic3A_641 {offsets = [0, 256], sizes = [32, 256], strides = [1, 1]} : vector<32x768xf32> to vector<32x256xf32>
      %slice3A_644 = vector.extract_strided_slice %logistic3A_641 {offsets = [0, 512], sizes = [32, 256], strides = [1, 1]} : vector<32x768xf32> to vector<32x256xf32>
      %slice3A_645 = vector.extract_strided_slice %add3A_634 {offsets = [0, 768], sizes = [32, 256], strides = [1, 1]} : vector<32x1024xf32> to vector<32x256xf32>
      %tanh3A_646 = math.tanh %slice3A_645 : vector<32x256xf32>
      %mul3A_647 = arith.mulf %slice3A_643, %add3A_607 : vector<32x256xf32>
      %mul3A_648 = arith.mulf %slice3A_642, %tanh3A_646 : vector<32x256xf32>
      %add3A_649 = arith.addf %mul3A_647, %mul3A_648 : vector<32x256xf32>
      %tanh3A_650 = math.tanh %add3A_649 : vector<32x256xf32>
      %mul3A_651 = arith.mulf %slice3A_644, %tanh3A_650 : vector<32x256xf32>
      %swap3A_652 = arith.constant 0 : index
      %swap3A_653 = arith.index_cast %arg1 : i32 to index
      %swap3A_654 = arith.constant 14 : index
      %swap3A_655 = arith.constant 0 : index
      %swap3A_656 = vector.load %arg13[%swap3A_652, %swap3A_653, %swap3A_654, %swap3A_655] : memref<32x4x16x256xf32, #tpu.memory_space<vmem>>, vector<32x1x1x256xf32>
      %swap3A_657 = vector.shape_cast %swap3A_656 : vector<32x1x1x256xf32> to vector<32x256xf32>
      %swap3A_658 = vector.shape_cast %mul3A_651 : vector<32x256xf32> to vector<32x1x1x256xf32>
      tpu.vector_store %arg13[%swap3A_652, %swap3A_653, %swap3A_654, %swap3A_655], %swap3A_658 {strides = array<i32>} : memref<32x4x16x256xf32, #tpu.memory_space<vmem>>, vector<32x1x1x256xf32>,
      %mul3A_659 = arith.constant 16 : i32
      %mul3A_660 = arith.muli %arg1, %mul3A_659 : i32
      %add3A_661 = arith.constant 64 : i32
      %add3A_662 = arith.addi %add3A_661, %mul3A_660 : i32
      %mul3A_663 = arith.constant 32 : i32
      %mul3A_664 = arith.muli %add3A_662, %mul3A_663 : i32
      %add3A_665 = arith.constant 480 : i32
      %add3A_666 = arith.addi %mul3A_664, %add3A_665 : i32
      %get3A_667 = arith.index_cast %add3A_666 : i32 to index
      %get3A_668 = arith.constant 0 : index
      %get3A_669 = vector.load %arg12[%get3A_667, %get3A_668] : memref<4096x1024xf32, #tpu.memory_space<vmem>>, vector<32x1024xf32>
      %convert_element_type3A_670 = arith.truncf %mul3A_651 : vector<32x256xf32> to vector<32x256xbf16>
      %get3A_671 = arith.constant 0 : index
      %get3A_672 = arith.constant 0 : index
      %get3A_673 = vector.load %arg7[%get3A_671, %get3A_672] : memref<1024x256xbf16, #tpu.memory_space<vmem>>, vector<1024x256xbf16>
      %dot_general3A_674 = arith.constant dense<0.000000e+00> : vector<32x1024xf32>
      %dot_general3A_675 = tpu.matmul %convert_element_type3A_670, %get3A_673, %dot_general3A_674 {dimension_numbers = #tpu.dot_dimension_numbers<[1], [1], [0], [0], [0, 0, 1, 0], [], []>, transpose_lhs_hint = false} : vector<32x256xbf16>, vector<1024x256xbf16>, vector<32x1024xf32> -> vector<32x1024xf32>
      %add3A_676 = arith.addf %get3A_669, %dot_general3A_675 : vector<32x1024xf32>
      %slice3A_677 = vector.extract_strided_slice %add3A_676 {offsets = [0, 0], sizes = [32, 768], strides = [1, 1]} : vector<32x1024xf32> to vector<32x768xf32>
      %logistic3A_678 = arith.negf %slice3A_677 : vector<32x768xf32>
      %logistic3A_679 = math.exp %logistic3A_678 : vector<32x768xf32>
      %logistic3A_680 = arith.constant 1.000000e+00 : f32
      %logistic3A_681 = vector.broadcast %logistic3A_680 : f32 to vector<32x768xf32>
      %logistic3A_682 = arith.addf %logistic3A_681, %logistic3A_679 : vector<32x768xf32>
      %logistic3A_683 = arith.divf %logistic3A_681, %logistic3A_682 : vector<32x768xf32>
      %slice3A_684 = vector.extract_strided_slice %logistic3A_683 {offsets = [0, 0], sizes = [32, 256], strides = [1, 1]} : vector<32x768xf32> to vector<32x256xf32>
      %slice3A_685 = vector.extract_strided_slice %logistic3A_683 {offsets = [0, 256], sizes = [32, 256], strides = [1, 1]} : vector<32x768xf32> to vector<32x256xf32>
      %slice3A_686 = vector.extract_strided_slice %logistic3A_683 {offsets = [0, 512], sizes = [32, 256], strides = [1, 1]} : vector<32x768xf32> to vector<32x256xf32>
      %slice3A_687 = vector.extract_strided_slice %add3A_676 {offsets = [0, 768], sizes = [32, 256], strides = [1, 1]} : vector<32x1024xf32> to vector<32x256xf32>
      %tanh3A_688 = math.tanh %slice3A_687 : vector<32x256xf32>
      %mul3A_689 = arith.mulf %slice3A_685, %add3A_649 : vector<32x256xf32>
      %mul3A_690 = arith.mulf %slice3A_684, %tanh3A_688 : vector<32x256xf32>
      %add3A_691 = arith.addf %mul3A_689, %mul3A_690 : vector<32x256xf32>
      %tanh3A_692 = math.tanh %add3A_691 : vector<32x256xf32>
      %mul3A_693 = arith.mulf %slice3A_686, %tanh3A_692 : vector<32x256xf32>
      %swap3A_694 = arith.constant 0 : index
      %swap3A_695 = arith.index_cast %arg1 : i32 to index
      %swap3A_696 = arith.constant 15 : index
      %swap3A_697 = arith.constant 0 : index
      %swap3A_698 = vector.load %arg13[%swap3A_694, %swap3A_695, %swap3A_696, %swap3A_697] : memref<32x4x16x256xf32, #tpu.memory_space<vmem>>, vector<32x1x1x256xf32>
      %swap3A_699 = vector.shape_cast %swap3A_698 : vector<32x1x1x256xf32> to vector<32x256xf32>
      %swap3A_700 = vector.shape_cast %mul3A_693 : vector<32x256xf32> to vector<32x1x1x256xf32>
      tpu.vector_store %arg13[%swap3A_694, %swap3A_695, %swap3A_696, %swap3A_697], %swap3A_700 {strides = array<i32>} : memref<32x4x16x256xf32, #tpu.memory_space<vmem>>, vector<32x1x1x256xf32>,
      %swap3A_701 = arith.constant 0 : index
      %swap3A_702 = arith.constant 0 : index
      %swap3A_703 = vector.load %arg14[%swap3A_701, %swap3A_702] : memref<32x256xf32, #tpu.memory_space<vmem>>, vector<32x256xf32>
      tpu.vector_store %arg14[%swap3A_701, %swap3A_702], %mul3A_693 {strides = array<i32>} : memref<32x256xf32, #tpu.memory_space<vmem>>, vector<32x256xf32>,
      %swap3A_704 = arith.constant 0 : index
      %swap3A_705 = arith.constant 0 : index
      %swap3A_706 = vector.load %arg15[%swap3A_704, %swap3A_705] : memref<32x256xf32, #tpu.memory_space<vmem>>, vector<32x256xf32>
      tpu.vector_store %arg15[%swap3A_704, %swap3A_705], %add3A_691 {strides = array<i32>} : memref<32x256xf32, #tpu.memory_space<vmem>>, vector<32x256xf32>,
    } else {
    }
    %get3A = arith.constant 0 : index
    %get3A_9 = arith.index_cast %arg1 : i32 to index
    %get3A_10 = arith.constant 0 : index
    %get3A_11 = arith.constant 0 : index
    %get3A_12 = vector.load %arg13[%get3A, %get3A_9, %get3A_10, %get3A_11] : memref<32x4x16x256xf32, #tpu.memory_space<vmem>>, vector<32x1x16x256xf32>
    %get3A_13 = vector.shape_cast %get3A_12 : vector<32x1x16x256xf32> to vector<32x16x256xf32>
    %reshape3A = vector.shape_cast %get3A_13 : vector<32x16x256xf32> to vector<512x256xf32>
    %convert_element_type3A_14 = arith.truncf %reshape3A : vector<512x256xf32> to vector<512x256xbf16>
    %get3A_15 = arith.constant 0 : index
    %get3A_16 = arith.constant 0 : index
    %get3A_17 = vector.load %arg9[%get3A_15, %get3A_16] : memref<1280x256xf32, #tpu.memory_space<vmem>>, vector<1280x256xf32>
    %dot_general3A = arith.constant dense<0.000000e+00> : vector<512x1280xf32>
    %dot_general3A_18 = tpu.matmul %convert_element_type3A_14, %get3A_17, %dot_general3A {dimension_numbers = #tpu.dot_dimension_numbers<[1], [1], [0], [0], [0, 0, 1, 0], [], []>, transpose_lhs_hint = false} : vector<512x256xbf16>, vector<1280x256xf32>, vector<512x1280xf32> -> vector<512x1280xf32>
    %get3A_19 = arith.constant 0 : index
    %get3A_20 = arith.constant 0 : index
    %get3A_21 = vector.load %arg10[%get3A_19, %get3A_20] : memref<1x1280xf32, #tpu.memory_space<vmem>>, vector<1x1280xf32>
    %add3A = vector.broadcast %get3A_21 : vector<1x1280xf32> to vector<512x1280xf32>
    %add3A_22 = arith.addf %dot_general3A_18, %add3A : vector<512x1280xf32>
    %reshape3A_23 = vector.shape_cast %add3A_22 : vector<512x1280xf32> to vector<32x16x1280xf32>
    %swap3A = arith.constant 0 : index
    %swap3A_24 = arith.constant 0 : index
    %swap3A_25 = arith.constant 0 : index
    %swap3A_26 = vector.load %arg11[%swap3A, %swap3A_24, %swap3A_25] : memref<32x16x1280xf32, #tpu.memory_space<vmem>>, vector<32x16x1280xf32>
    tpu.vector_store %arg11[%swap3A, %swap3A_24, %swap3A_25], %reshape3A_23 {strides = array<i32>} : memref<32x16x1280xf32, #tpu.memory_space<vmem>>, vector<32x16x1280xf32>,
    return
  }
  func.func @transform_0(%arg0: i32, %arg1: i32) -> (i32, i32) {
    %c0_i32 = arith.constant 0 : i32
    %c0_i32_0 = arith.constant 0 : i32
    %c0_i32_1 = arith.constant 0 : i32
    return %c0_i32, %c0_i32_0 : i32, i32
  }
  func.func @transform_1(%arg0: i32, %arg1: i32) -> (i32, i32) {
    %c0_i32 = arith.constant 0 : i32
    %c0_i32_0 = arith.constant 0 : i32
    %c0_i32_1 = arith.constant 0 : i32
    return %c0_i32, %c0_i32_0 : i32, i32
  }
  func.func @transform_2(%arg0: i32, %arg1: i32) -> (i32, i32) {
    %c0_i32 = arith.constant 0 : i32
    %c0_i32_0 = arith.constant 0 : i32
    %c0_i32_1 = arith.constant 0 : i32
    return %c0_i32, %c0_i32_0 : i32, i32
  }
  func.func @transform_3(%arg0: i32, %arg1: i32) -> (i32, i32) {
    %c0_i32 = arith.constant 0 : i32
    %c0_i32_0 = arith.constant 0 : i32
    %c0_i32_1 = arith.constant 0 : i32
    return %c0_i32, %c0_i32_0 : i32, i32
  }
  func.func @transform_4(%arg0: i32, %arg1: i32) -> (i32, i32) {
    %c0_i32 = arith.constant 0 : i32
    %c0_i32_0 = arith.constant 0 : i32
    %c0_i32_1 = arith.constant 0 : i32
    return %c0_i32, %c0_i32_0 : i32, i32
  }
  func.func @transform_5(%arg0: i32, %arg1: i32) -> (i32, i32) {
    %c0_i32 = arith.constant 0 : i32
    %c0_i32_0 = arith.constant 0 : i32
    %c0_i32_1 = arith.constant 0 : i32
    return %c0_i32, %c0_i32_0 : i32, i32
  }
  func.func @transform_6(%arg0: i32, %arg1: i32) -> (i32, i32) {
    %c0_i32 = arith.constant 0 : i32
    %c0_i32_0 = arith.constant 0 : i32
    %c0_i32_1 = arith.constant 0 : i32
    return %c0_i32, %c0_i32_0 : i32, i32
  }
  func.func @transform_7(%arg0: i32, %arg1: i32) -> (i32, i32) {
    %c0_i32 = arith.constant 0 : i32
    %c0_i32_0 = arith.constant 0 : i32
    return %arg0, %c0_i32 : i32, i32
  }
  func.func @transform_8(%arg0: i32, %arg1: i32) -> (i32, i32) {
    %c0_i32 = arith.constant 0 : i32
    %c0_i32_0 = arith.constant 0 : i32
    return %c0_i32, %arg0 : i32, i32
  }
  func.func @transform_9(%arg0: i32, %arg1: i32) -> (i32, i32, i32) {
    %c0_i32 = arith.constant 0 : i32
    %c0_i32_0 = arith.constant 0 : i32
    return %c0_i32, %arg1, %arg0 : i32, i32, i32
  }
}

</mosaic_0001>

<sc_bundles>
// kernel: kernel.4.cloned.1.call-start
scs
__scs_entry_jumppad:
0x0: {  	(pc) =	sbr.rel $0x88, $3  }
0x1: {  	(tag) =	ssettag $0x0;
	lr =	simm.s32 $0x1  }
0x2: {  	[smem:$0x3F94] =	sst lr;
	_ =	strace $0xD0000000  }
0x3: {  	_ = 	snop  }
0x4: {  	_ = 	snop  }
0x5: {  	_ = 	snop  }
0x6: {  	_ = 	snop  }
0x7: {  	_ = 	snop  }
__scs_overlays_trampoline_lowered:
0x8: {  	[smem:$0x3FA3] =	sst s0  }
0x9: {  	[smem:$0x3FA4] =	sst s1  }
0xa: {  	[smem:$0x3FA5] =	sst s2  }
0xb: {  	[smem:$0x3FA6] =	sst s3  }
0xc: {  	[smem:$0x3FA7] =	sst s4  }
0xd: {  	[smem:$0x3FA8] =	sst s5  }
0xe: {  	[smem:$0x3FA9] =	sst s6  }
0xf: {  	[smem:$0x3FAA] =	sst s7  }
0x10: {  	[smem:$0x3FAB] =	sst s8  }
0x11: {  	[smem:$0x3FAC] =	sst s9;
	s0 =	simm.s32 @!p0 $0x0  }
0x12: {  	s1 =	sld [smem:$0x3F92];
	s0 =	simm.s32 @p0 $0x1  }
0x13: {  	[smem:$0x3FAD] =	sst s0;
	s0 =	simm.s32 @!p1 $0x0  }
0x14: {  	s2 =	sld [smem:$0x3F91];
	s0 =	simm.s32 @p1 $0x1  }
0x15: {  	[smem:$0x3FAE] =	sst s0;
	s0 =	simm.s32 @!p2 $0x0  }
0x16: {  	s3 =	sld [smem:$0x3FDB];
	s0 =	simm.s32 @p2 $0x1  }
0x17: {  	s4 =	simm.s32 $0x1BF5;
	[smem:$0x3FB0] =	sst s0  }
0x18: {  	s0 =	sld [smem:$0x3F93];
	_ =	swait.ge [sflag:s4], $0x0  }
0x19: {  	s7 =	sld [smem:$0x3F94]  }
0x1a: {  	s8 =	sadd.s32 $0xFFFFE003, lr  }
0x1b: {  	s9 =	sadd.s32 $0xFFFFFEF7, lr;
	s5 =	simm.s32 $0xFFFFFFFF;
	p2 =	slt.u32 s8, $0xFFFFF086  }
0x1c: {  	p1 =	slt.u32 s9, $0xF7A;
	s5 =	simm.s32 @!p2 $0x0  }
0x1d: {  	s5 =	simm.s32 @p1 $0x1;
	p0 =	seq.s32 s7, s2  }
0x1e: {  	s7 =	smul.u32 @!p0 $0xF7A, s2;
	p2 =	seq.s32 @!p0 s5, $0x0  }
0x1f: {  	s9 =	smul.u32 $0xF7A, s1;
	s8 =	simm.s32 @!p0 $0x1BF5;
	p2 =	por !p2, p0  }
0x20: {  	[sflag:s8] =	ssyncset.s32 @!p0 $0xFFFFF086;
	s6 =	sadd.s32 @!p0 s3, s7;
	s7 =	simm.s32 @!p0 $0x108  }
0x21: {  	s3 =	sadd.s32 s3, s9;
	s6 =	sadd.s32 @!p0 $0x88, s6;
	s7 =	simm.s32 @p2 $0x1082  }
0x22: {  	[simem:s7], [sflag:s8] =	dma.local @!p0 [hbm:s6], $0xF7A  }
0x23: {  	s9 =	sor.u32 $0xD0000000, s2;
	s6 =	simm.s32 $0x108;
	_ =	swait.ge @!p0 [sflag:s8], $0x0  }
0x24: {  	s3 =	sadd.s32 $0x88, s3;
	s6 =	simm.s32 @!p1 $0x1082;
	[sflag:s4] =	ssyncset.s32 $0xFFFFF086  }
0x25: {  	[simem:s6], [sflag:s4] =	dma.local [hbm:s3], $0xF7A  }
0x26: {  	[smem:$0x3F94] =	sst s1;
	(tag) =	ssettag s2;
	_ =	strace s9  }
0x27: {  	s1 =	sld [smem:$0x3FA4]  }
0x28: {  	s2 =	sld [smem:$0x3FA5]  }
0x29: {  	s4 =	sld [smem:$0x3FA7]  }
0x2a: {  	p0 =	seq.s32 s5, $0x0;
	s5 =	sld [smem:$0x3FA8]  }
0x2b: {  	s6 =	sld [smem:$0x3FA9]  }
0x2c: {  	s7 =	sld [smem:$0x3FAA]  }
0x2d: {  	s3 =	simm.s32 $0x108;
	s8 =	sld [smem:$0x3FAB]  }
0x2e: {  	s3 =	simm.s32 @!p0 $0x1082;
	s9 =	sld [smem:$0x3FAC]  }
0x2f: {  	lr =	sadd.s32 s0, s3;
	s0 =	sld [smem:$0x3FA3]  }
0x30: {  	s3 =	sld [smem:$0x3FA6]  }
0x31: {  	[smem:$0x3FAF] =	sst s10  }
0x32: {  	s10 =	sld [smem:$0x3FAD];
	_ =	sdelay $0x3  }
0x33: {  	p0 =	seq.s32 s10, $0x1;
	s10 =	sld [smem:$0x3FAF];
	_ =	sdelay $0x3  }
0x34: {  	[smem:$0x3FAF] =	sst s10  }
0x35: {  	s10 =	sld [smem:$0x3FAE];
	_ =	sdelay $0x3  }
0x36: {  	p1 =	seq.s32 s10, $0x1;
	s10 =	sld [smem:$0x3FAF];
	_ =	sdelay $0x3  }
0x37: {  	[smem:$0x3FAF] =	sst s10  }
0x38: {  	s10 =	sld [smem:$0x3FB0]  }
0x39: {  	_ = 	snop;
	(pc) =	sbr.ind lr, $3  }
0x3a: {  	_ = 	snop  }
0x3b: {  	_ = 	snop  }
0x3c: {  	p2 =	seq.s32 s10, $0x1;
	s10 =	sld [smem:$0x3FAF]  }
0x3d: {  	_ =	shalt  }
0x3e: {  	_ =	shalt  }
0x3f: {  	_ =	shalt  }
0x40: {  	_ =	shalt  }
0x41: {  	_ =	shalt  }
0x42: {  	_ =	shalt  }
0x43: {  	_ =	shalt  }
0x44: {  	_ =	shalt  }
0x45: {  	_ =	shalt  }
0x46: {  	_ =	shalt  }
0x47: {  	_ =	shalt  }
0x48: {  	_ =	shalt  }
0x49: {  	_ =	shalt  }
0x4a: {  	_ =	shalt  }
0x4b: {  	_ =	shalt  }
0x4c: {  	_ =	shalt  }
0x4d: {  	_ =	shalt  }
0x4e: {  	_ =	shalt  }
0x4f: {  	_ =	shalt  }
0x50: {  	_ =	shalt  }
0x51: {  	_ =	shalt  }
0x52: {  	_ =	shalt  }
0x53: {  	_ =	shalt  }
0x54: {  	_ =	shalt  }
0x55: {  	_ =	shalt  }
0x56: {  	_ =	shalt  }
0x57: {  	_ =	shalt  }
0x58: {  	_ =	shalt  }
0x59: {  	_ =	shalt  }
0x5a: {  	_ =	shalt  }
0x5b: {  	_ =	shalt  }
0x5c: {  	_ =	shalt  }
0x5d: {  	_ =	shalt  }
0x5e: {  	_ =	shalt  }
0x5f: {  	_ =	shalt  }
0x60: {  	_ =	shalt  }
0x61: {  	_ =	shalt  }
0x62: {  	_ =	shalt  }
0x63: {  	_ =	shalt  }
0x64: {  	_ =	shalt  }
0x65: {  	_ =	shalt  }
0x66: {  	_ =	shalt  }
0x67: {  	_ =	shalt  }
0x68: {  	_ =	shalt  }
0x69: {  	_ =	shalt  }
0x6a: {  	_ =	shalt  }
0x6b: {  	_ =	shalt  }
0x6c: {  	_ =	shalt  }
0x6d: {  	_ =	shalt  }
0x6e: {  	_ =	shalt  }
0x6f: {  	_ =	shalt  }
0x70: {  	_ =	shalt  }
0x71: {  	_ =	shalt  }
0x72: {  	_ =	shalt  }
0x73: {  	_ =	shalt  }
0x74: {  	_ =	shalt  }
0x75: {  	_ =	shalt  }
0x76: {  	_ =	shalt  }
0x77: {  	_ =	shalt  }
0x78: {  	_ =	shalt  }
0x79: {  	_ =	shalt  }
0x7a: {  	_ =	shalt  }
0x7b: {  	_ =	shalt  }
0x7c: {  	_ =	shalt  }
0x7d: {  	_ =	shalt  }
0x7e: {  	_ =	shalt  }
0x7f: {  	_ =	shalt  }
0x80: {  	_ =	shalt  }
0x81: {  	_ =	shalt  }
0x82: {  	_ =	shalt  }
0x83: {  	_ =	shalt  }
0x84: {  	_ =	shalt  }
0x85: {  	_ =	shalt  }
0x86: {  	_ =	shalt  }
0x87: {  	_ =	shalt  }
.Lfunc_end0:
.L_simem_size_0:
called_computation_lowered:
.L_overlay_start_0:
0x88: {  	s2 =	sld [smem:$0x3FD9]  }
0x89: {  	s3 =	sld [smem:$0x3FFE];
	_ =	sdelay $0x1  }
0x8a: {  	s1 =	srdreg.scid  }
0x8b: {  	s0 =	sand.u32 $0x1, s1  }
0x8c: {  	s17 =	sshll.u32 s0, $0xA;
	s2 =	sadd.s32 s3, s2  }
0x8d: {  	s2 =	sadd.s32 s2, s17  }
0x8e: {  	[smem:$0x3FBB] =	sst s2  }
0x8f: {  	_ = 	snop  }
0x90: {  	s2 =	sld [smem:$0x3FC7]  }
0x91: {  	s18 =	sld [smem:$0x3FD0];
	(tm) =	ssettm $0x1  }
0x92: {  	s4 =	sld [smem:$0x3FFB];
	_ =	sdelay $0x3  }
0x93: {  	_ =	strace s4  }
0x94: {  	s4 =	sld [smem:$0x3FFC];
	_ =	sdelay $0x3  }
0x95: {  	_ =	strace s4  }
0x96: {  	s4 =	sld [smem:$0x3FFD];
	_ =	sdelay $0x3  }
0x97: {  	_ =	strace s4  }
0x98: {  	_ =	strace $0x8FFFFFFF  }
0x99: {  	s19 =	sld [smem:$0x3FDB];
	_ =	sdelay $0x1  }
0x9a: {  	s5 =	simm.s32 $_scs_section_size  }
0x9b: {  	s6 =	simm.s32 $_size__tile_overlayer_lowered;
	s7 =	simm.s32 $_tile_overlayer_lowered  }
0x9c: {  	s22 =	simm.s32 $0x1BFF;
	s21 =	sshll.u32 s7, $0x1;
	s4 =	sadd.s32 s5, s19  }
0x9d: {  	s8 =	simm.s32 $0x0;
	s20 =	sshll.u32 s6, $0x1;
	s6 =	sadd.s32 s21, s4  }
0x9e: {  	[timem:s8], [sflag:s22] =	dma.local [hbm:s6], s20  }
0x9f: {  	_ =	swait.ge [sflag:s22], s20  }
0xa0: {  	s5 =	ssub.s32 $0x0, s20;
	[sflag:s22] =	ssyncset.done $0x0  }
0xa1: {  	[sflag:s22] =	ssyncadd.s32 s5;
	_ =	sdelay $0x1  }
0xa2: {  	s23 =	simm.s32 $0x1B8B  }
0xa3: {  	_ =	swait.ge [sflag:s23], $0x1  }
0xa4: {  	[sflag:s23] =	ssyncset.done $0x0  }
0xa5: {  	s25 =	simm.s32 $0x1B8E;
	s24 =	sld [smem:$0x3FFE];
	[sflag:s23] =	ssyncadd.s32 $0xFFFFFFFF  }
0xa6: {  	s26 =	simm.s32 $execute0_lowered;
	[smem:$0x3FD2] =	sst s25  }
0xa7: {  	s6 =	sshll.u32 s26, $0x1;
	_ =	strace $0x80000046;
	[dreg:$0x1] =	wrdreg $0xFFFFFFFF  }
0xa8: {  	s28 =	simm.s32 $_size_execute0_lowered;
	s4 =	sadd.s32 s4, s6;
	[dreg:$0x0] =	wrdreg $0x0  }
0xa9: {  	s6 =	sshll.u32 s28, $0x1;
	[dreg:$0x2] =	wrdreg s4  }
0xaa: {  	[dreg:$0x3] =	wrdreg s6  }
0xab: {  	[dreg:$0x4] =	wrdreg $0xC0  }
0xac: {  	_ =	task [dreg:s8], $0x5FFFF  }
0xad: {  	[dreg:$0x1] =	wrdreg $0xFFFFFFFF  }
0xae: {  	[dreg:$0x0] =	wrdreg $0x60  }
0xaf: {  	[dreg:$0x2] =	wrdreg s2  }
0xb0: {  	[dreg:$0x3] =	wrdreg s24  }
0xb1: {  	[dreg:$0x4] =	wrdreg s18  }
0xb2: {  	[dreg:$0x5] =	wrdreg $0x9  }
0xb3: {  	_ =	task.clear_ibuf [dreg:s8], $0x6FFFF;
	_ =	strace $0x90000046  }
0xb4: {  	s29 =	simm.s32 $0x9;
	_ =	strace $0x80000048  }
0xb5: {  	_ =	swait.ge [sflag:s29], $0x1  }
0xb6: {  	[sflag:s29] =	ssyncadd.s32 $0xFFFFFFFF  }
0xb7: {  	_ =	strace $0x90000048  }
0xb8: {  	_ =	sfence  }
0xb9: {  	s30 =	sld [smem:$0x0];
	_ =	sdelay $0x2  }
0xba: {  	s31 =	sshll.u32 s1, $0xD;
	s1 =	sshrl.u32 s1, $0x2  }
0xbb: {  	s3 =	sand.u32 $0x4000, s31;
	s1 =	sadd.s32 s1, s30  }
0xbc: {  	s0 =	sor.u32 s3, s0;
	s1 =	sshll.u32 s1, $0x11  }
0xbd: {  	s0 =	sor.u32 s1, s0  }
0xbe: {  	s0 =	sadd.s32 $0x8F2B, s0  }
0xbf: {  	[sflag:s0] =	ssyncadd.remote.s32 $0x1  }
0xc0: {  	_ =	sfence.sel $0xFFFF  }
0xc1: {  	[dreg:$0x0] =	wrdreg $0xFFFFFFFF;
	(pc) =	sbr.abs _section_cstart, $3  }
0xc2: {  	[dreg:$0x1] =	wrdreg $0xFFFFFFFF  }
0xc3: {  	_ =	task.clear_ibuf [dreg:s8], $0x2FFFF;
	_ =	strace $0x9FFFFFFF  }
0xc4: {  	(tm) =	ssettm $0x7FFFFFFF  }
0xc5: {  	_ =	shalt  }
tec
execute0_lowered:
.L_overlay_start_1:
0x0: {  	(tag) =	ssettag $0x1  }
0x1: {  	s2 =	srdreg.scid  }
0x2: {  	s1 =	rddreg [dreg:$0x0];
	s0 =	stileid.u32;
	s6 =	sand.u32 $0x1, s2  }
0x3: {  	s4 =	rddreg [dreg:$0x1];
	s30 =	sshll.u32 s0, $0x8;
	s3 =	sshll.u32 s6, $0x7  }
0x4: {  	s8 =	rddreg [dreg:$0x2];
	s9 =	sor.u32 s3, s30  }
0x5: {  	s2 =	rddreg [dreg:$0x3];
	s3 =	simm.s32 $0x0;
	s5 =	sshrl.u32 s9, $0x3  }
0x6: {  	s10 =	ssub.s32 $0x2, s6;
	[smem:$0x7FF] =	sst s3;
	s4 =	sadd.s32 s5, s4  }
0x7: {  	_ =	strace $0x80000047;
	s5 =	sadd.s32 $0x2800, s4;
	s4 =	simm.s32 $0x2  }
0x8: {  	[tilespmem:s3], [sflag:$0x2] =	stream.linear.gather [hbm4b:s5+s3], $0x80, $0x38;
	[tilespmem:$0x4080] =	vst v63  }
0x9: {  	s11 =	sshrl.u32 s10, $0x1;
	_ =	swait.ge [sflag:s4], $0x80  }
0xa: {  	s7 =	simm.s32 $0x1;
	s10 =	ssub.s32 s10, s11;
	[sflag:s4] =	ssyncset.done $0x0  }
0xb: {  	s6 =	simm.s32 $0x80;
	s31 =	smax.u32 s10, $0x1;
	[sflag:s4] =	ssyncadd.s32 $0xFFFFFF80  }
0xc: {  	[tilespmem:s6], [sflag:$0x1] =	stream.indirect.gather [hbm4b:s1+s6], $0x80, s3, s6, $0xb8;
	[tilespmem:$0x4080] =	vst v63  }
0xd: {  	p0 =	sne.s32 s31, $0x1;
	_ =	swait.ge [sflag:s7], $0x4000  }
.Ltmp0:
0xe: {  	s9 =	sshll.u32 s9, $0x4;
	[sflag:s7] =	ssyncset.done $0x0;
	(pc) =	sbr.rel @!p0 .LBB2_2-.Ltmp0, $4  }
0xf: {  	s8 =	sadd.s32 s8, s9;
	[sflag:s7] =	ssyncadd.s32 $0xFFFFC000  }
0x10: {  	[hbm4b:s8+s3] =	stream.linear.scatter [tilespmem:s6], [sflag:$0x2], $0x4000, $0x38;
	[tilespmem:$0x4080] =	vst v63  }
0x11: {  	_ =	swait.ge [sflag:s4], $0x4000  }
0x12: {  	s9 =	sadd.s32 $0xFFFFFFFF, s31;
	[sflag:s4] =	ssyncset.done $0x0  }
.LBB2_1:
0x13: {  	p0 =	sne.s32 s9, $0x1;
	s9 =	sadd.s32 $0xFFFFFFFF, s9;
	[sflag:s4] =	ssyncadd.s32 $0xFFFFC000  }
0x14: {  	[tilespmem:s3], [sflag:$0x2] =	stream.linear.gather [hbm4b:s5+s3], $0x80, $0x38;
	[tilespmem:$0x4080] =	vst v63  }
0x15: {  	_ =	swait.ge [sflag:s4], $0x80  }
0x16: {  	[sflag:s4] =	ssyncset.done $0x0  }
0x17: {  	[sflag:s4] =	ssyncadd.s32 $0xFFFFFF80  }
0x18: {  	[tilespmem:s6], [sflag:$0x1] =	stream.indirect.gather [hbm4b:s1+s6], $0x80, s3, s6, $0xb8;
	[tilespmem:$0x4080] =	vst v63  }
0x19: {  	_ =	swait.ge [sflag:s7], $0x4000  }
.Ltmp1:
0x1a: {  	[sflag:s7] =	ssyncset.done $0x0;
	(pc) =	sbr.rel @p0 .LBB2_1-.Ltmp1, $4  }
0x1b: {  	[sflag:s7] =	ssyncadd.s32 $0xFFFFC000  }
0x1c: {  	[hbm4b:s8+s3] =	stream.linear.scatter [tilespmem:s6], [sflag:$0x2], $0x4000, $0x38;
	[tilespmem:$0x4080] =	vst v63  }
0x1d: {  	_ =	swait.ge [sflag:s4], $0x4000  }
0x1e: {  	[sflag:s4] =	ssyncset.done $0x0  }
.LBB2_2:
0x1f: {  	[sflag:s4] =	ssyncadd.s32 $0xFFFFC000  }
0x20: {  	_ =	sfence.sel $0x180000  }
0x21: {  	[bflag:$0x0] =	sbarrier.arrive $0xFFFF  }
0x22: {  	p0 =	sne.s32 s0, $0x0;
	_ =	strace $0x90000047  }
0x23: {  	s0 =	sadd.s32 @!p0 $0x100000, s2;
	[bflag:$0x2] =	sbarrier.arrive $0xFFFF  }
0x24: {  	[sflag:s0] =	ssyncadd.tile.s32 @!p0 $0x1;
	_ =	shalt  }
.Lfunc_end2:
_tile_overlayer_lowered:
.L_overlay_start_2:
0x25: {  	(tag) =	ssettag $0x2  }
0x26: {  	s0 =	rddreg [dreg:$0x0];
	s2 =	stileid.u32  }
0x27: {  	s1 =	rddreg [dreg:$0x1];
	p0 =	sne.s32 s2, $0x0  }
0x28: {  	s3 =	rddreg [dreg:$0x2];
	[bflag:$0x3] =	sbarrier.arrive $0xFFFF;
	s2 =	simm.s32 @!p0 $0x1C02  }
0x29: {  	[timem:s3], [sflag:s2] =	dma.local @!p0 [hbm:s0], s1  }
0x2a: {  	s0 =	simm.s32 @!p0 $0x2  }
0x2b: {  	_ =	swait.ge @!p0 [sflag:s0], s1  }
0x2c: {  	s1 =	ssub.s32 @!p0 $0x0, s1;
	[sflag:s0] =	ssyncset.done @!p0 $0x0  }
0x2d: {  	[sflag:s0] =	ssyncadd.s32 @!p0 s1  }
0x2e: {  	[bflag:$0x3] =	sbarrier.arrive $0xFFFF  }
0x2f: {  	_ =	shalt  }

</sc_bundles>
